<compile_context>
chip_gen: v7x
topology: tpu7x:2x2x1
jax: 0.10.2.dev20260603
libtpu: 0.0.44.dev20260713+nightly
codegen_flags: <defaults>
</compile_context>

<pallas_src>
import functools

import jax
import jax.numpy as jnp
from jax import lax
from jax.experimental import pallas as pl
from jax.experimental.pallas import tpu as pltpu
from jax.experimental.pallas import tpu_sc as plsc

BATCH = 16384
DIM = 32
LANES = 16
IDX_CHUNK = 128


def _mf_dot_body(u_hbm, i_hbm, ue_hbm, ie_hbm, out_hbm,
                 uidx_v, iidx_v, urows_v, irows_v, out_v, sem_u, sem_i,
                 *, num_cores, bpw):
    wid = lax.axis_index("s") * num_cores + lax.axis_index("c")
    base = wid * bpw
    nchunk = bpw // IDX_CHUNK

    pltpu.sync_copy(u_hbm.at[pl.ds(wid * nchunk, nchunk)], uidx_v)
    pltpu.sync_copy(i_hbm.at[pl.ds(wid * nchunk, nchunk)], iidx_v)

    copies = []
    for k in range(nchunk):
        dst_u = urows_v.at[pl.ds(k * IDX_CHUNK, IDX_CHUNK)]
        dst_i = irows_v.at[pl.ds(k * IDX_CHUNK, IDX_CHUNK)]
        copies.append(pltpu.async_copy(ue_hbm.at[uidx_v.at[k]], dst_u, sem_u))
        copies.append(pltpu.async_copy(ie_hbm.at[iidx_v.at[k]], dst_i, sem_i))
    for c in copies:
        c.wait()

    row_iota = lax.iota(jnp.int32, LANES)
    col_idx = [jnp.full((LANES,), d, jnp.int32) for d in range(DIM)]

    def group_body(g, carry):
        ridx = g * LANES + row_iota
        acc = jnp.zeros((LANES,), jnp.float32)
        for d in range(DIM):
            uv = plsc.load_gather(urows_v, [ridx, col_idx[d]])
            iv = plsc.load_gather(irows_v, [ridx, col_idx[d]])
            acc = acc + uv * iv
        out_v[pl.ds(g * LANES, LANES)] = acc
        return carry

    lax.fori_loop(0, bpw // LANES, group_body, 0)
    pltpu.sync_copy(out_v, out_hbm.at[pl.ds(base, bpw)])


def kernel(u, i, user_embedding, item_embedding):
    info = plsc.get_sparse_core_info()
    nc, ns = info.num_cores, info.num_subcores
    nw = nc * ns
    bpw = BATCH // nw

    u2 = u.reshape(BATCH // IDX_CHUNK, IDX_CHUNK)
    i2 = i.reshape(BATCH // IDX_CHUNK, IDX_CHUNK)

    kfn = pl.kernel(
        functools.partial(_mf_dot_body, num_cores=nc, bpw=bpw),
        mesh=plsc.VectorSubcoreMesh(core_axis_name="c", subcore_axis_name="s"),
        out_type=jax.ShapeDtypeStruct((BATCH,), jnp.float32),
        scratch_types=[
            pltpu.VMEM((bpw // IDX_CHUNK, IDX_CHUNK), jnp.int32),
            pltpu.VMEM((bpw // IDX_CHUNK, IDX_CHUNK), jnp.int32),
            pltpu.VMEM((bpw, DIM), jnp.float32),
            pltpu.VMEM((bpw, DIM), jnp.float32),
            pltpu.VMEM((bpw,), jnp.float32),
            pltpu.SemaphoreType.DMA,
            pltpu.SemaphoreType.DMA,
        ],
        compiler_params=pltpu.CompilerParams(
            needs_layout_passes=False, use_tc_tiling_on_sc=False
        ),
    )
    return kfn(u2, i2, user_embedding, item_embedding)

# --- scband reference (transcript-rebuilt; emitter-appended) ---
"""Pipeline reference for scband-mfmodule-76527727280608 (READ-ONLY COPY).

The authoritative reference and input builder live on the scoring server;
editing this copy changes nothing except your own understanding.
"""

import jax, jax.numpy as jnp
import numpy as np

NUM_USERS = 1000000
NUM_ITEMS = 1000000
NUM_COMPONENTS = 32
BATCH = 16384

def setup_inputs(seed: int = 0) -> dict:
    key = jax.random.key(seed)
    k_u, k_i, k_ue, k_ie = jax.random.split(key, 4)
    u = jax.random.randint(k_u, (BATCH,), 0, NUM_USERS, dtype=jnp.int64 if jax.config.jax_enable_x64 else jnp.int32).astype(jnp.int32)
    i = jax.random.randint(k_i, (BATCH,), 0, NUM_ITEMS, dtype=jnp.int64 if jax.config.jax_enable_x64 else jnp.int32).astype(jnp.int32)
    user_embedding = jax.random.normal(k_ue, (NUM_USERS, NUM_COMPONENTS), dtype=jnp.float32) * 0.1
    item_embedding = jax.random.normal(k_ie, (NUM_ITEMS, NUM_COMPONENTS), dtype=jnp.float32) * 0.1
    return {"u": u, "i": i, "user_embedding": user_embedding, "item_embedding": item_embedding}

def reference(u, i, user_embedding, item_embedding):
    ue = jnp.take(user_embedding, u, axis=0)
    ie = jnp.take(item_embedding, i, axis=0)
    return (ue * ie).sum(axis=-1)

if __name__ == "__main__":
    import jax
    _d = setup_inputs()
    print(jax.jit(kernel)(*tuple(_d.values())))

</pallas_src>

<mosaic_0001>
#map = affine_map<(d0, d1) -> (0, 0)>
#map1 = affine_map<(d0, d1) -> (0)>
module attributes {stable_mosaic.version = 14 : i64} {
  func.func @_mf_dot_body(%arg0: i32, %arg1: i32, %arg2: memref<128x128xi32, #tpu.memory_space<hbm>>, %arg3: memref<128x128xi32, #tpu.memory_space<hbm>>, %arg4: memref<1000000x32xf32, #tpu.memory_space<hbm>>, %arg5: memref<1000000x32xf32, #tpu.memory_space<hbm>>, %arg6: memref<16384xf32, #tpu.memory_space<hbm>>, %arg7: memref<4x128xi32, #tpu.memory_space<vmem>>, %arg8: memref<4x128xi32, #tpu.memory_space<vmem>>, %arg9: memref<512x32xf32, #tpu.memory_space<vmem>>, %arg10: memref<512x32xf32, #tpu.memory_space<vmem>>, %arg11: memref<512xf32, #tpu.memory_space<vmem>>, %arg12: memref<!tpu.dma_semaphore, #tpu.memory_space<semaphore_mem>>, %arg13: memref<!tpu.dma_semaphore, #tpu.memory_space<semaphore_mem>>) attributes {dimension_semantics = [#tpu.dimension_semantics<core_parallel>, #tpu.dimension_semantics<subcore_parallel>], iteration_bounds = array<i64: 2, 16>, scalar_prefetch = 0 : i64, scratch_operands = 7 : i64, tpu.core_type = #tpu.core_type<sc_vector_subcore>, window_params = [{transform_indices = #map}, {transform_indices = #map}, {transform_indices = #map}, {transform_indices = #map}, {transform_indices = #map1}]} {
    %mul3A = arith.constant 2 : i32
    %mul3A_0 = arith.muli %arg1, %mul3A : i32
    %add3A = arith.addi %mul3A_0, %arg0 : i32
    %mul3A_1 = arith.constant 512 : i32
    %mul3A_2 = arith.muli %add3A, %mul3A_1 : i32
    %mul3A_3 = arith.constant 4 : i32
    %mul3A_4 = arith.muli %add3A, %mul3A_3 : i32
    "tpu.region"() ({
      %run_scoped3A = tpu.sem_alloc : memref<!tpu.dma_semaphore, #tpu.memory_space<semaphore_mem>>
      %dma_start3A_233 = arith.constant 0 : i32
      %dma_start3A_234 = tpu.memref_slice %arg2[%mul3A_4, %dma_start3A_233] : memref<128x128xi32, #tpu.memory_space<hbm>> -> memref<4x128xi32, #tpu.memory_space<hbm>>
      %dma_start3A_235 = arith.constant 0 : i32
      %dma_start3A_236 = tpu.memref_slice %arg2[%mul3A_4, %dma_start3A_235] : memref<128x128xi32, #tpu.memory_space<hbm>> -> memref<4x128xi32, #tpu.memory_space<hbm>>
      tpu.enqueue_dma source(%dma_start3A_236 : memref<4x128xi32, #tpu.memory_space<hbm>>) target(%arg7 : memref<4x128xi32, #tpu.memory_space<vmem>>) target_semaphore(%run_scoped3A : memref<!tpu.dma_semaphore, #tpu.memory_space<semaphore_mem>>)
      %dma_wait3A_237 = arith.constant 0 : i32
      %dma_wait3A_238 = tpu.memref_slice %arg2[%mul3A_4, %dma_wait3A_237] : memref<128x128xi32, #tpu.memory_space<hbm>> -> memref<4x128xi32, #tpu.memory_space<hbm>>
      %dma_wait3A_239 = arith.constant 0 : i32
      %dma_wait3A_240 = tpu.memref_slice %arg2[%mul3A_4, %dma_wait3A_239] : memref<128x128xi32, #tpu.memory_space<hbm>> -> memref<4x128xi32, #tpu.memory_space<hbm>>
      tpu.wait_dma2 semaphore(%run_scoped3A : memref<!tpu.dma_semaphore, #tpu.memory_space<semaphore_mem>>) src(%dma_wait3A_240 : memref<4x128xi32, #tpu.memory_space<hbm>>) dst(%arg7 : memref<4x128xi32, #tpu.memory_space<vmem>>)
      tpu.yield
    }) : () -> ()
    %mul3A_5 = arith.constant 4 : i32
    %mul3A_6 = arith.muli %add3A, %mul3A_5 : i32
    "tpu.region"() ({
      %run_scoped3A = tpu.sem_alloc : memref<!tpu.dma_semaphore, #tpu.memory_space<semaphore_mem>>
      %dma_start3A_233 = arith.constant 0 : i32
      %dma_start3A_234 = tpu.memref_slice %arg3[%mul3A_6, %dma_start3A_233] : memref<128x128xi32, #tpu.memory_space<hbm>> -> memref<4x128xi32, #tpu.memory_space<hbm>>
      %dma_start3A_235 = arith.constant 0 : i32
      %dma_start3A_236 = tpu.memref_slice %arg3[%mul3A_6, %dma_start3A_235] : memref<128x128xi32, #tpu.memory_space<hbm>> -> memref<4x128xi32, #tpu.memory_space<hbm>>
      tpu.enqueue_dma source(%dma_start3A_236 : memref<4x128xi32, #tpu.memory_space<hbm>>) target(%arg8 : memref<4x128xi32, #tpu.memory_space<vmem>>) target_semaphore(%run_scoped3A : memref<!tpu.dma_semaphore, #tpu.memory_space<semaphore_mem>>)
      %dma_wait3A_237 = arith.constant 0 : i32
      %dma_wait3A_238 = tpu.memref_slice %arg3[%mul3A_6, %dma_wait3A_237] : memref<128x128xi32, #tpu.memory_space<hbm>> -> memref<4x128xi32, #tpu.memory_space<hbm>>
      %dma_wait3A_239 = arith.constant 0 : i32
      %dma_wait3A_240 = tpu.memref_slice %arg3[%mul3A_6, %dma_wait3A_239] : memref<128x128xi32, #tpu.memory_space<hbm>> -> memref<4x128xi32, #tpu.memory_space<hbm>>
      tpu.wait_dma2 semaphore(%run_scoped3A : memref<!tpu.dma_semaphore, #tpu.memory_space<semaphore_mem>>) src(%dma_wait3A_240 : memref<4x128xi32, #tpu.memory_space<hbm>>) dst(%arg8 : memref<4x128xi32, #tpu.memory_space<vmem>>)
      tpu.yield
    }) : () -> ()
    %dma_start3A = arith.constant 0 : i32
    %dma_start3A_7 = arith.constant 0 : i32
    %dma_start3A_8 = arith.constant 0 : i32
    %dma_start3A_9 = tpu.memref_slice %arg9[%dma_start3A_7, %dma_start3A_8] : memref<512x32xf32, #tpu.memory_space<vmem>> -> memref<128x32xf32, #tpu.memory_space<vmem>>
    %dma_start3A_10 = arith.constant 0 : i32
    %dma_start3A_11 = tpu.memref_slice %arg7[%dma_start3A, %dma_start3A_10] : memref<4x128xi32, #tpu.memory_space<vmem>> -> memref<1x128xi32, #tpu.memory_space<vmem>>
    %dma_start3A_12 = tpu.memref_squeeze %dma_start3A_11 : memref<1x128xi32, #tpu.memory_space<vmem>> -> memref<128xi32, #tpu.memory_space<vmem>>
    %dma_start3A_13 = arith.constant 0 : i32
    %dma_start3A_14 = arith.constant 0 : i32
    %dma_start3A_15 = tpu.memref_slice %arg4[%dma_start3A_13, %dma_start3A_14] : memref<1000000x32xf32, #tpu.memory_space<hbm>> -> memref<1000000x32xf32, #tpu.memory_space<hbm>>
    tpu.enqueue_indirect_dma source(%dma_start3A_15 : memref<1000000x32xf32, #tpu.memory_space<hbm>>) target(%dma_start3A_9 : memref<128x32xf32, #tpu.memory_space<vmem>>) offsets(%dma_start3A_12 : memref<128xi32, #tpu.memory_space<vmem>>) semaphore(%arg12 : memref<!tpu.dma_semaphore, #tpu.memory_space<semaphore_mem>>)
    %dma_start3A_16 = arith.constant 0 : i32
    %dma_start3A_17 = arith.constant 0 : i32
    %dma_start3A_18 = arith.constant 0 : i32
    %dma_start3A_19 = tpu.memref_slice %arg10[%dma_start3A_17, %dma_start3A_18] : memref<512x32xf32, #tpu.memory_space<vmem>> -> memref<128x32xf32, #tpu.memory_space<vmem>>
    %dma_start3A_20 = arith.constant 0 : i32
    %dma_start3A_21 = tpu.memref_slice %arg8[%dma_start3A_16, %dma_start3A_20] : memref<4x128xi32, #tpu.memory_space<vmem>> -> memref<1x128xi32, #tpu.memory_space<vmem>>
    %dma_start3A_22 = tpu.memref_squeeze %dma_start3A_21 : memref<1x128xi32, #tpu.memory_space<vmem>> -> memref<128xi32, #tpu.memory_space<vmem>>
    %dma_start3A_23 = arith.constant 0 : i32
    %dma_start3A_24 = arith.constant 0 : i32
    %dma_start3A_25 = tpu.memref_slice %arg5[%dma_start3A_23, %dma_start3A_24] : memref<1000000x32xf32, #tpu.memory_space<hbm>> -> memref<1000000x32xf32, #tpu.memory_space<hbm>>
    tpu.enqueue_indirect_dma source(%dma_start3A_25 : memref<1000000x32xf32, #tpu.memory_space<hbm>>) target(%dma_start3A_19 : memref<128x32xf32, #tpu.memory_space<vmem>>) offsets(%dma_start3A_22 : memref<128xi32, #tpu.memory_space<vmem>>) semaphore(%arg13 : memref<!tpu.dma_semaphore, #tpu.memory_space<semaphore_mem>>)
    %dma_start3A_26 = arith.constant 1 : i32
    %dma_start3A_27 = arith.constant 128 : i32
    %dma_start3A_28 = arith.constant 0 : i32
    %dma_start3A_29 = tpu.memref_slice %arg9[%dma_start3A_27, %dma_start3A_28] : memref<512x32xf32, #tpu.memory_space<vmem>> -> memref<128x32xf32, #tpu.memory_space<vmem>>
    %dma_start3A_30 = arith.constant 0 : i32
    %dma_start3A_31 = tpu.memref_slice %arg7[%dma_start3A_26, %dma_start3A_30] : memref<4x128xi32, #tpu.memory_space<vmem>> -> memref<1x128xi32, #tpu.memory_space<vmem>>
    %dma_start3A_32 = tpu.memref_squeeze %dma_start3A_31 : memref<1x128xi32, #tpu.memory_space<vmem>> -> memref<128xi32, #tpu.memory_space<vmem>>
    %dma_start3A_33 = arith.constant 0 : i32
    %dma_start3A_34 = arith.constant 0 : i32
    %dma_start3A_35 = tpu.memref_slice %arg4[%dma_start3A_33, %dma_start3A_34] : memref<1000000x32xf32, #tpu.memory_space<hbm>> -> memref<1000000x32xf32, #tpu.memory_space<hbm>>
    tpu.enqueue_indirect_dma source(%dma_start3A_35 : memref<1000000x32xf32, #tpu.memory_space<hbm>>) target(%dma_start3A_29 : memref<128x32xf32, #tpu.memory_space<vmem>>) offsets(%dma_start3A_32 : memref<128xi32, #tpu.memory_space<vmem>>) semaphore(%arg12 : memref<!tpu.dma_semaphore, #tpu.memory_space<semaphore_mem>>)
    %dma_start3A_36 = arith.constant 1 : i32
    %dma_start3A_37 = arith.constant 128 : i32
    %dma_start3A_38 = arith.constant 0 : i32
    %dma_start3A_39 = tpu.memref_slice %arg10[%dma_start3A_37, %dma_start3A_38] : memref<512x32xf32, #tpu.memory_space<vmem>> -> memref<128x32xf32, #tpu.memory_space<vmem>>
    %dma_start3A_40 = arith.constant 0 : i32
    %dma_start3A_41 = tpu.memref_slice %arg8[%dma_start3A_36, %dma_start3A_40] : memref<4x128xi32, #tpu.memory_space<vmem>> -> memref<1x128xi32, #tpu.memory_space<vmem>>
    %dma_start3A_42 = tpu.memref_squeeze %dma_start3A_41 : memref<1x128xi32, #tpu.memory_space<vmem>> -> memref<128xi32, #tpu.memory_space<vmem>>
    %dma_start3A_43 = arith.constant 0 : i32
    %dma_start3A_44 = arith.constant 0 : i32
    %dma_start3A_45 = tpu.memref_slice %arg5[%dma_start3A_43, %dma_start3A_44] : memref<1000000x32xf32, #tpu.memory_space<hbm>> -> memref<1000000x32xf32, #tpu.memory_space<hbm>>
    tpu.enqueue_indirect_dma source(%dma_start3A_45 : memref<1000000x32xf32, #tpu.memory_space<hbm>>) target(%dma_start3A_39 : memref<128x32xf32, #tpu.memory_space<vmem>>) offsets(%dma_start3A_42 : memref<128xi32, #tpu.memory_space<vmem>>) semaphore(%arg13 : memref<!tpu.dma_semaphore, #tpu.memory_space<semaphore_mem>>)
    %dma_start3A_46 = arith.constant 2 : i32
    %dma_start3A_47 = arith.constant 256 : i32
    %dma_start3A_48 = arith.constant 0 : i32
    %dma_start3A_49 = tpu.memref_slice %arg9[%dma_start3A_47, %dma_start3A_48] : memref<512x32xf32, #tpu.memory_space<vmem>> -> memref<128x32xf32, #tpu.memory_space<vmem>>
    %dma_start3A_50 = arith.constant 0 : i32
    %dma_start3A_51 = tpu.memref_slice %arg7[%dma_start3A_46, %dma_start3A_50] : memref<4x128xi32, #tpu.memory_space<vmem>> -> memref<1x128xi32, #tpu.memory_space<vmem>>
    %dma_start3A_52 = tpu.memref_squeeze %dma_start3A_51 : memref<1x128xi32, #tpu.memory_space<vmem>> -> memref<128xi32, #tpu.memory_space<vmem>>
    %dma_start3A_53 = arith.constant 0 : i32
    %dma_start3A_54 = arith.constant 0 : i32
    %dma_start3A_55 = tpu.memref_slice %arg4[%dma_start3A_53, %dma_start3A_54] : memref<1000000x32xf32, #tpu.memory_space<hbm>> -> memref<1000000x32xf32, #tpu.memory_space<hbm>>
    tpu.enqueue_indirect_dma source(%dma_start3A_55 : memref<1000000x32xf32, #tpu.memory_space<hbm>>) target(%dma_start3A_49 : memref<128x32xf32, #tpu.memory_space<vmem>>) offsets(%dma_start3A_52 : memref<128xi32, #tpu.memory_space<vmem>>) semaphore(%arg12 : memref<!tpu.dma_semaphore, #tpu.memory_space<semaphore_mem>>)
    %dma_start3A_56 = arith.constant 2 : i32
    %dma_start3A_57 = arith.constant 256 : i32
    %dma_start3A_58 = arith.constant 0 : i32
    %dma_start3A_59 = tpu.memref_slice %arg10[%dma_start3A_57, %dma_start3A_58] : memref<512x32xf32, #tpu.memory_space<vmem>> -> memref<128x32xf32, #tpu.memory_space<vmem>>
    %dma_start3A_60 = arith.constant 0 : i32
    %dma_start3A_61 = tpu.memref_slice %arg8[%dma_start3A_56, %dma_start3A_60] : memref<4x128xi32, #tpu.memory_space<vmem>> -> memref<1x128xi32, #tpu.memory_space<vmem>>
    %dma_start3A_62 = tpu.memref_squeeze %dma_start3A_61 : memref<1x128xi32, #tpu.memory_space<vmem>> -> memref<128xi32, #tpu.memory_space<vmem>>
    %dma_start3A_63 = arith.constant 0 : i32
    %dma_start3A_64 = arith.constant 0 : i32
    %dma_start3A_65 = tpu.memref_slice %arg5[%dma_start3A_63, %dma_start3A_64] : memref<1000000x32xf32, #tpu.memory_space<hbm>> -> memref<1000000x32xf32, #tpu.memory_space<hbm>>
    tpu.enqueue_indirect_dma source(%dma_start3A_65 : memref<1000000x32xf32, #tpu.memory_space<hbm>>) target(%dma_start3A_59 : memref<128x32xf32, #tpu.memory_space<vmem>>) offsets(%dma_start3A_62 : memref<128xi32, #tpu.memory_space<vmem>>) semaphore(%arg13 : memref<!tpu.dma_semaphore, #tpu.memory_space<semaphore_mem>>)
    %dma_start3A_66 = arith.constant 3 : i32
    %dma_start3A_67 = arith.constant 384 : i32
    %dma_start3A_68 = arith.constant 0 : i32
    %dma_start3A_69 = tpu.memref_slice %arg9[%dma_start3A_67, %dma_start3A_68] : memref<512x32xf32, #tpu.memory_space<vmem>> -> memref<128x32xf32, #tpu.memory_space<vmem>>
    %dma_start3A_70 = arith.constant 0 : i32
    %dma_start3A_71 = tpu.memref_slice %arg7[%dma_start3A_66, %dma_start3A_70] : memref<4x128xi32, #tpu.memory_space<vmem>> -> memref<1x128xi32, #tpu.memory_space<vmem>>
    %dma_start3A_72 = tpu.memref_squeeze %dma_start3A_71 : memref<1x128xi32, #tpu.memory_space<vmem>> -> memref<128xi32, #tpu.memory_space<vmem>>
    %dma_start3A_73 = arith.constant 0 : i32
    %dma_start3A_74 = arith.constant 0 : i32
    %dma_start3A_75 = tpu.memref_slice %arg4[%dma_start3A_73, %dma_start3A_74] : memref<1000000x32xf32, #tpu.memory_space<hbm>> -> memref<1000000x32xf32, #tpu.memory_space<hbm>>
    tpu.enqueue_indirect_dma source(%dma_start3A_75 : memref<1000000x32xf32, #tpu.memory_space<hbm>>) target(%dma_start3A_69 : memref<128x32xf32, #tpu.memory_space<vmem>>) offsets(%dma_start3A_72 : memref<128xi32, #tpu.memory_space<vmem>>) semaphore(%arg12 : memref<!tpu.dma_semaphore, #tpu.memory_space<semaphore_mem>>)
    %dma_start3A_76 = arith.constant 3 : i32
    %dma_start3A_77 = arith.constant 384 : i32
    %dma_start3A_78 = arith.constant 0 : i32
    %dma_start3A_79 = tpu.memref_slice %arg10[%dma_start3A_77, %dma_start3A_78] : memref<512x32xf32, #tpu.memory_space<vmem>> -> memref<128x32xf32, #tpu.memory_space<vmem>>
    %dma_start3A_80 = arith.constant 0 : i32
    %dma_start3A_81 = tpu.memref_slice %arg8[%dma_start3A_76, %dma_start3A_80] : memref<4x128xi32, #tpu.memory_space<vmem>> -> memref<1x128xi32, #tpu.memory_space<vmem>>
    %dma_start3A_82 = tpu.memref_squeeze %dma_start3A_81 : memref<1x128xi32, #tpu.memory_space<vmem>> -> memref<128xi32, #tpu.memory_space<vmem>>
    %dma_start3A_83 = arith.constant 0 : i32
    %dma_start3A_84 = arith.constant 0 : i32
    %dma_start3A_85 = tpu.memref_slice %arg5[%dma_start3A_83, %dma_start3A_84] : memref<1000000x32xf32, #tpu.memory_space<hbm>> -> memref<1000000x32xf32, #tpu.memory_space<hbm>>
    tpu.enqueue_indirect_dma source(%dma_start3A_85 : memref<1000000x32xf32, #tpu.memory_space<hbm>>) target(%dma_start3A_79 : memref<128x32xf32, #tpu.memory_space<vmem>>) offsets(%dma_start3A_82 : memref<128xi32, #tpu.memory_space<vmem>>) semaphore(%arg13 : memref<!tpu.dma_semaphore, #tpu.memory_space<semaphore_mem>>)
    %dma_wait3A = arith.constant 0 : i32
    %dma_wait3A_86 = arith.constant 0 : i32
    %dma_wait3A_87 = arith.constant 0 : i32
    %dma_wait3A_88 = tpu.memref_slice %arg9[%dma_wait3A_86, %dma_wait3A_87] : memref<512x32xf32, #tpu.memory_space<vmem>> -> memref<128x32xf32, #tpu.memory_space<vmem>>
    %dma_wait3A_89 = arith.constant 0 : i32
    %dma_wait3A_90 = tpu.memref_slice %arg7[%dma_wait3A, %dma_wait3A_89] : memref<4x128xi32, #tpu.memory_space<vmem>> -> memref<1x128xi32, #tpu.memory_space<vmem>>
    %dma_wait3A_91 = tpu.memref_squeeze %dma_wait3A_90 : memref<1x128xi32, #tpu.memory_space<vmem>> -> memref<128xi32, #tpu.memory_space<vmem>>
    %dma_wait3A_92 = arith.constant 0 : i32
    %dma_wait3A_93 = arith.constant 0 : i32
    %dma_wait3A_94 = tpu.memref_slice %arg4[%dma_wait3A_92, %dma_wait3A_93] : memref<1000000x32xf32, #tpu.memory_space<hbm>> -> memref<1000000x32xf32, #tpu.memory_space<hbm>>
    tpu.wait_indirect_dma semaphore(%arg12 : memref<!tpu.dma_semaphore, #tpu.memory_space<semaphore_mem>>) src(%dma_wait3A_94 : memref<1000000x32xf32, #tpu.memory_space<hbm>>) dst(%dma_wait3A_88 : memref<128x32xf32, #tpu.memory_space<vmem>>)
    %dma_wait3A_95 = arith.constant 0 : i32
    %dma_wait3A_96 = arith.constant 0 : i32
    %dma_wait3A_97 = arith.constant 0 : i32
    %dma_wait3A_98 = tpu.memref_slice %arg10[%dma_wait3A_96, %dma_wait3A_97] : memref<512x32xf32, #tpu.memory_space<vmem>> -> memref<128x32xf32, #tpu.memory_space<vmem>>
    %dma_wait3A_99 = arith.constant 0 : i32
    %dma_wait3A_100 = tpu.memref_slice %arg8[%dma_wait3A_95, %dma_wait3A_99] : memref<4x128xi32, #tpu.memory_space<vmem>> -> memref<1x128xi32, #tpu.memory_space<vmem>>
    %dma_wait3A_101 = tpu.memref_squeeze %dma_wait3A_100 : memref<1x128xi32, #tpu.memory_space<vmem>> -> memref<128xi32, #tpu.memory_space<vmem>>
    %dma_wait3A_102 = arith.constant 0 : i32
    %dma_wait3A_103 = arith.constant 0 : i32
    %dma_wait3A_104 = tpu.memref_slice %arg5[%dma_wait3A_102, %dma_wait3A_103] : memref<1000000x32xf32, #tpu.memory_space<hbm>> -> memref<1000000x32xf32, #tpu.memory_space<hbm>>
    tpu.wait_indirect_dma semaphore(%arg13 : memref<!tpu.dma_semaphore, #tpu.memory_space<semaphore_mem>>) src(%dma_wait3A_104 : memref<1000000x32xf32, #tpu.memory_space<hbm>>) dst(%dma_wait3A_98 : memref<128x32xf32, #tpu.memory_space<vmem>>)
    %dma_wait3A_105 = arith.constant 1 : i32
    %dma_wait3A_106 = arith.constant 128 : i32
    %dma_wait3A_107 = arith.constant 0 : i32
    %dma_wait3A_108 = tpu.memref_slice %arg9[%dma_wait3A_106, %dma_wait3A_107] : memref<512x32xf32, #tpu.memory_space<vmem>> -> memref<128x32xf32, #tpu.memory_space<vmem>>
    %dma_wait3A_109 = arith.constant 0 : i32
    %dma_wait3A_110 = tpu.memref_slice %arg7[%dma_wait3A_105, %dma_wait3A_109] : memref<4x128xi32, #tpu.memory_space<vmem>> -> memref<1x128xi32, #tpu.memory_space<vmem>>
    %dma_wait3A_111 = tpu.memref_squeeze %dma_wait3A_110 : memref<1x128xi32, #tpu.memory_space<vmem>> -> memref<128xi32, #tpu.memory_space<vmem>>
    %dma_wait3A_112 = arith.constant 0 : i32
    %dma_wait3A_113 = arith.constant 0 : i32
    %dma_wait3A_114 = tpu.memref_slice %arg4[%dma_wait3A_112, %dma_wait3A_113] : memref<1000000x32xf32, #tpu.memory_space<hbm>> -> memref<1000000x32xf32, #tpu.memory_space<hbm>>
    tpu.wait_indirect_dma semaphore(%arg12 : memref<!tpu.dma_semaphore, #tpu.memory_space<semaphore_mem>>) src(%dma_wait3A_114 : memref<1000000x32xf32, #tpu.memory_space<hbm>>) dst(%dma_wait3A_108 : memref<128x32xf32, #tpu.memory_space<vmem>>)
    %dma_wait3A_115 = arith.constant 1 : i32
    %dma_wait3A_116 = arith.constant 128 : i32
    %dma_wait3A_117 = arith.constant 0 : i32
    %dma_wait3A_118 = tpu.memref_slice %arg10[%dma_wait3A_116, %dma_wait3A_117] : memref<512x32xf32, #tpu.memory_space<vmem>> -> memref<128x32xf32, #tpu.memory_space<vmem>>
    %dma_wait3A_119 = arith.constant 0 : i32
    %dma_wait3A_120 = tpu.memref_slice %arg8[%dma_wait3A_115, %dma_wait3A_119] : memref<4x128xi32, #tpu.memory_space<vmem>> -> memref<1x128xi32, #tpu.memory_space<vmem>>
    %dma_wait3A_121 = tpu.memref_squeeze %dma_wait3A_120 : memref<1x128xi32, #tpu.memory_space<vmem>> -> memref<128xi32, #tpu.memory_space<vmem>>
    %dma_wait3A_122 = arith.constant 0 : i32
    %dma_wait3A_123 = arith.constant 0 : i32
    %dma_wait3A_124 = tpu.memref_slice %arg5[%dma_wait3A_122, %dma_wait3A_123] : memref<1000000x32xf32, #tpu.memory_space<hbm>> -> memref<1000000x32xf32, #tpu.memory_space<hbm>>
    tpu.wait_indirect_dma semaphore(%arg13 : memref<!tpu.dma_semaphore, #tpu.memory_space<semaphore_mem>>) src(%dma_wait3A_124 : memref<1000000x32xf32, #tpu.memory_space<hbm>>) dst(%dma_wait3A_118 : memref<128x32xf32, #tpu.memory_space<vmem>>)
    %dma_wait3A_125 = arith.constant 2 : i32
    %dma_wait3A_126 = arith.constant 256 : i32
    %dma_wait3A_127 = arith.constant 0 : i32
    %dma_wait3A_128 = tpu.memref_slice %arg9[%dma_wait3A_126, %dma_wait3A_127] : memref<512x32xf32, #tpu.memory_space<vmem>> -> memref<128x32xf32, #tpu.memory_space<vmem>>
    %dma_wait3A_129 = arith.constant 0 : i32
    %dma_wait3A_130 = tpu.memref_slice %arg7[%dma_wait3A_125, %dma_wait3A_129] : memref<4x128xi32, #tpu.memory_space<vmem>> -> memref<1x128xi32, #tpu.memory_space<vmem>>
    %dma_wait3A_131 = tpu.memref_squeeze %dma_wait3A_130 : memref<1x128xi32, #tpu.memory_space<vmem>> -> memref<128xi32, #tpu.memory_space<vmem>>
    %dma_wait3A_132 = arith.constant 0 : i32
    %dma_wait3A_133 = arith.constant 0 : i32
    %dma_wait3A_134 = tpu.memref_slice %arg4[%dma_wait3A_132, %dma_wait3A_133] : memref<1000000x32xf32, #tpu.memory_space<hbm>> -> memref<1000000x32xf32, #tpu.memory_space<hbm>>
    tpu.wait_indirect_dma semaphore(%arg12 : memref<!tpu.dma_semaphore, #tpu.memory_space<semaphore_mem>>) src(%dma_wait3A_134 : memref<1000000x32xf32, #tpu.memory_space<hbm>>) dst(%dma_wait3A_128 : memref<128x32xf32, #tpu.memory_space<vmem>>)
    %dma_wait3A_135 = arith.constant 2 : i32
    %dma_wait3A_136 = arith.constant 256 : i32
    %dma_wait3A_137 = arith.constant 0 : i32
    %dma_wait3A_138 = tpu.memref_slice %arg10[%dma_wait3A_136, %dma_wait3A_137] : memref<512x32xf32, #tpu.memory_space<vmem>> -> memref<128x32xf32, #tpu.memory_space<vmem>>
    %dma_wait3A_139 = arith.constant 0 : i32
    %dma_wait3A_140 = tpu.memref_slice %arg8[%dma_wait3A_135, %dma_wait3A_139] : memref<4x128xi32, #tpu.memory_space<vmem>> -> memref<1x128xi32, #tpu.memory_space<vmem>>
    %dma_wait3A_141 = tpu.memref_squeeze %dma_wait3A_140 : memref<1x128xi32, #tpu.memory_space<vmem>> -> memref<128xi32, #tpu.memory_space<vmem>>
    %dma_wait3A_142 = arith.constant 0 : i32
    %dma_wait3A_143 = arith.constant 0 : i32
    %dma_wait3A_144 = tpu.memref_slice %arg5[%dma_wait3A_142, %dma_wait3A_143] : memref<1000000x32xf32, #tpu.memory_space<hbm>> -> memref<1000000x32xf32, #tpu.memory_space<hbm>>
    tpu.wait_indirect_dma semaphore(%arg13 : memref<!tpu.dma_semaphore, #tpu.memory_space<semaphore_mem>>) src(%dma_wait3A_144 : memref<1000000x32xf32, #tpu.memory_space<hbm>>) dst(%dma_wait3A_138 : memref<128x32xf32, #tpu.memory_space<vmem>>)
    %dma_wait3A_145 = arith.constant 3 : i32
    %dma_wait3A_146 = arith.constant 384 : i32
    %dma_wait3A_147 = arith.constant 0 : i32
    %dma_wait3A_148 = tpu.memref_slice %arg9[%dma_wait3A_146, %dma_wait3A_147] : memref<512x32xf32, #tpu.memory_space<vmem>> -> memref<128x32xf32, #tpu.memory_space<vmem>>
    %dma_wait3A_149 = arith.constant 0 : i32
    %dma_wait3A_150 = tpu.memref_slice %arg7[%dma_wait3A_145, %dma_wait3A_149] : memref<4x128xi32, #tpu.memory_space<vmem>> -> memref<1x128xi32, #tpu.memory_space<vmem>>
    %dma_wait3A_151 = tpu.memref_squeeze %dma_wait3A_150 : memref<1x128xi32, #tpu.memory_space<vmem>> -> memref<128xi32, #tpu.memory_space<vmem>>
    %dma_wait3A_152 = arith.constant 0 : i32
    %dma_wait3A_153 = arith.constant 0 : i32
    %dma_wait3A_154 = tpu.memref_slice %arg4[%dma_wait3A_152, %dma_wait3A_153] : memref<1000000x32xf32, #tpu.memory_space<hbm>> -> memref<1000000x32xf32, #tpu.memory_space<hbm>>
    tpu.wait_indirect_dma semaphore(%arg12 : memref<!tpu.dma_semaphore, #tpu.memory_space<semaphore_mem>>) src(%dma_wait3A_154 : memref<1000000x32xf32, #tpu.memory_space<hbm>>) dst(%dma_wait3A_148 : memref<128x32xf32, #tpu.memory_space<vmem>>)
    %dma_wait3A_155 = arith.constant 3 : i32
    %dma_wait3A_156 = arith.constant 384 : i32
    %dma_wait3A_157 = arith.constant 0 : i32
    %dma_wait3A_158 = tpu.memref_slice %arg10[%dma_wait3A_156, %dma_wait3A_157] : memref<512x32xf32, #tpu.memory_space<vmem>> -> memref<128x32xf32, #tpu.memory_space<vmem>>
    %dma_wait3A_159 = arith.constant 0 : i32
    %dma_wait3A_160 = tpu.memref_slice %arg8[%dma_wait3A_155, %dma_wait3A_159] : memref<4x128xi32, #tpu.memory_space<vmem>> -> memref<1x128xi32, #tpu.memory_space<vmem>>
    %dma_wait3A_161 = tpu.memref_squeeze %dma_wait3A_160 : memref<1x128xi32, #tpu.memory_space<vmem>> -> memref<128xi32, #tpu.memory_space<vmem>>
    %dma_wait3A_162 = arith.constant 0 : i32
    %dma_wait3A_163 = arith.constant 0 : i32
    %dma_wait3A_164 = tpu.memref_slice %arg5[%dma_wait3A_162, %dma_wait3A_163] : memref<1000000x32xf32, #tpu.memory_space<hbm>> -> memref<1000000x32xf32, #tpu.memory_space<hbm>>
    tpu.wait_indirect_dma semaphore(%arg13 : memref<!tpu.dma_semaphore, #tpu.memory_space<semaphore_mem>>) src(%dma_wait3A_164 : memref<1000000x32xf32, #tpu.memory_space<hbm>>) dst(%dma_wait3A_158 : memref<128x32xf32, #tpu.memory_space<vmem>>)
    %iota3A = tpu.iota {dimensions = array<i32: 0>} : vector<16xi32>
    %broadcast_in_dim3A = arith.constant 0 : i32
    %broadcast_in_dim3A_165 = vector.broadcast %broadcast_in_dim3A : i32 to vector<16xi32>
    %broadcast_in_dim3A_166 = arith.constant 1 : i32
    %broadcast_in_dim3A_167 = vector.broadcast %broadcast_in_dim3A_166 : i32 to vector<16xi32>
    %broadcast_in_dim3A_168 = arith.constant 2 : i32
    %broadcast_in_dim3A_169 = vector.broadcast %broadcast_in_dim3A_168 : i32 to vector<16xi32>
    %broadcast_in_dim3A_170 = arith.constant 3 : i32
    %broadcast_in_dim3A_171 = vector.broadcast %broadcast_in_dim3A_170 : i32 to vector<16xi32>
    %broadcast_in_dim3A_172 = arith.constant 4 : i32
    %broadcast_in_dim3A_173 = vector.broadcast %broadcast_in_dim3A_172 : i32 to vector<16xi32>
    %broadcast_in_dim3A_174 = arith.constant 5 : i32
    %broadcast_in_dim3A_175 = vector.broadcast %broadcast_in_dim3A_174 : i32 to vector<16xi32>
    %broadcast_in_dim3A_176 = arith.constant 6 : i32
    %broadcast_in_dim3A_177 = vector.broadcast %broadcast_in_dim3A_176 : i32 to vector<16xi32>
    %broadcast_in_dim3A_178 = arith.constant 7 : i32
    %broadcast_in_dim3A_179 = vector.broadcast %broadcast_in_dim3A_178 : i32 to vector<16xi32>
    %broadcast_in_dim3A_180 = arith.constant 8 : i32
    %broadcast_in_dim3A_181 = vector.broadcast %broadcast_in_dim3A_180 : i32 to vector<16xi32>
    %broadcast_in_dim3A_182 = arith.constant 9 : i32
    %broadcast_in_dim3A_183 = vector.broadcast %broadcast_in_dim3A_182 : i32 to vector<16xi32>
    %broadcast_in_dim3A_184 = arith.constant 10 : i32
    %broadcast_in_dim3A_185 = vector.broadcast %broadcast_in_dim3A_184 : i32 to vector<16xi32>
    %broadcast_in_dim3A_186 = arith.constant 11 : i32
    %broadcast_in_dim3A_187 = vector.broadcast %broadcast_in_dim3A_186 : i32 to vector<16xi32>
    %broadcast_in_dim3A_188 = arith.constant 12 : i32
    %broadcast_in_dim3A_189 = vector.broadcast %broadcast_in_dim3A_188 : i32 to vector<16xi32>
    %broadcast_in_dim3A_190 = arith.constant 13 : i32
    %broadcast_in_dim3A_191 = vector.broadcast %broadcast_in_dim3A_190 : i32 to vector<16xi32>
    %broadcast_in_dim3A_192 = arith.constant 14 : i32
    %broadcast_in_dim3A_193 = vector.broadcast %broadcast_in_dim3A_192 : i32 to vector<16xi32>
    %broadcast_in_dim3A_194 = arith.constant 15 : i32
    %broadcast_in_dim3A_195 = vector.broadcast %broadcast_in_dim3A_194 : i32 to vector<16xi32>
    %broadcast_in_dim3A_196 = arith.constant 16 : i32
    %broadcast_in_dim3A_197 = vector.broadcast %broadcast_in_dim3A_196 : i32 to vector<16xi32>
    %broadcast_in_dim3A_198 = arith.constant 17 : i32
    %broadcast_in_dim3A_199 = vector.broadcast %broadcast_in_dim3A_198 : i32 to vector<16xi32>
    %broadcast_in_dim3A_200 = arith.constant 18 : i32
    %broadcast_in_dim3A_201 = vector.broadcast %broadcast_in_dim3A_200 : i32 to vector<16xi32>
    %broadcast_in_dim3A_202 = arith.constant 19 : i32
    %broadcast_in_dim3A_203 = vector.broadcast %broadcast_in_dim3A_202 : i32 to vector<16xi32>
    %broadcast_in_dim3A_204 = arith.constant 20 : i32
    %broadcast_in_dim3A_205 = vector.broadcast %broadcast_in_dim3A_204 : i32 to vector<16xi32>
    %broadcast_in_dim3A_206 = arith.constant 21 : i32
    %broadcast_in_dim3A_207 = vector.broadcast %broadcast_in_dim3A_206 : i32 to vector<16xi32>
    %broadcast_in_dim3A_208 = arith.constant 22 : i32
    %broadcast_in_dim3A_209 = vector.broadcast %broadcast_in_dim3A_208 : i32 to vector<16xi32>
    %broadcast_in_dim3A_210 = arith.constant 23 : i32
    %broadcast_in_dim3A_211 = vector.broadcast %broadcast_in_dim3A_210 : i32 to vector<16xi32>
    %broadcast_in_dim3A_212 = arith.constant 24 : i32
    %broadcast_in_dim3A_213 = vector.broadcast %broadcast_in_dim3A_212 : i32 to vector<16xi32>
    %broadcast_in_dim3A_214 = arith.constant 25 : i32
    %broadcast_in_dim3A_215 = vector.broadcast %broadcast_in_dim3A_214 : i32 to vector<16xi32>
    %broadcast_in_dim3A_216 = arith.constant 26 : i32
    %broadcast_in_dim3A_217 = vector.broadcast %broadcast_in_dim3A_216 : i32 to vector<16xi32>
    %broadcast_in_dim3A_218 = arith.constant 27 : i32
    %broadcast_in_dim3A_219 = vector.broadcast %broadcast_in_dim3A_218 : i32 to vector<16xi32>
    %broadcast_in_dim3A_220 = arith.constant 28 : i32
    %broadcast_in_dim3A_221 = vector.broadcast %broadcast_in_dim3A_220 : i32 to vector<16xi32>
    %broadcast_in_dim3A_222 = arith.constant 29 : i32
    %broadcast_in_dim3A_223 = vector.broadcast %broadcast_in_dim3A_222 : i32 to vector<16xi32>
    %broadcast_in_dim3A_224 = arith.constant 30 : i32
    %broadcast_in_dim3A_225 = vector.broadcast %broadcast_in_dim3A_224 : i32 to vector<16xi32>
    %broadcast_in_dim3A_226 = arith.constant 31 : i32
    %broadcast_in_dim3A_227 = vector.broadcast %broadcast_in_dim3A_226 : i32 to vector<16xi32>
    %scan3A = arith.constant 0 : i32
    %scan3A_228 = arith.constant 0 : i32
    %scan3A_229 = arith.constant 32 : i32
    %scan3A_230 = arith.addi %scan3A_228, %scan3A_229 : i32
    %scan3A_231 = arith.constant 1 : i32
    scf.for %scan3A_233 = %scan3A_228 to %scan3A_230 step %scan3A_231  : i32 {
      %mul3A_234 = arith.constant 16 : i32
      %mul3A_235 = arith.muli %scan3A_233, %mul3A_234 : i32
      %add3A_236 = vector.broadcast %mul3A_235 : i32 to vector<16xi32>
      %add3A_237 = arith.addi %add3A_236, %iota3A : vector<16xi32>
      %broadcast_in_dim3A_238 = arith.constant 0.000000e+00 : f32
      %broadcast_in_dim3A_239 = vector.broadcast %broadcast_in_dim3A_238 : f32 to vector<16xf32>
      %gather3A = tpu.vector_load_idx %arg9[%add3A_237, %broadcast_in_dim3A_165] : memref<512x32xf32, #tpu.memory_space<vmem>>[vector<16xi32>, vector<16xi32>], vector<16xf32>,
      %gather3A_240 = tpu.vector_load_idx %arg10[%add3A_237, %broadcast_in_dim3A_165] : memref<512x32xf32, #tpu.memory_space<vmem>>[vector<16xi32>, vector<16xi32>], vector<16xf32>,
      %mul3A_241 = arith.mulf %gather3A, %gather3A_240 : vector<16xf32>
      %add3A_242 = arith.addf %broadcast_in_dim3A_239, %mul3A_241 : vector<16xf32>
      %gather3A_243 = tpu.vector_load_idx %arg9[%add3A_237, %broadcast_in_dim3A_167] : memref<512x32xf32, #tpu.memory_space<vmem>>[vector<16xi32>, vector<16xi32>], vector<16xf32>,
      %gather3A_244 = tpu.vector_load_idx %arg10[%add3A_237, %broadcast_in_dim3A_167] : memref<512x32xf32, #tpu.memory_space<vmem>>[vector<16xi32>, vector<16xi32>], vector<16xf32>,
      %mul3A_245 = arith.mulf %gather3A_243, %gather3A_244 : vector<16xf32>
      %add3A_246 = arith.addf %add3A_242, %mul3A_245 : vector<16xf32>
      %gather3A_247 = tpu.vector_load_idx %arg9[%add3A_237, %broadcast_in_dim3A_169] : memref<512x32xf32, #tpu.memory_space<vmem>>[vector<16xi32>, vector<16xi32>], vector<16xf32>,
      %gather3A_248 = tpu.vector_load_idx %arg10[%add3A_237, %broadcast_in_dim3A_169] : memref<512x32xf32, #tpu.memory_space<vmem>>[vector<16xi32>, vector<16xi32>], vector<16xf32>,
      %mul3A_249 = arith.mulf %gather3A_247, %gather3A_248 : vector<16xf32>
      %add3A_250 = arith.addf %add3A_246, %mul3A_249 : vector<16xf32>
      %gather3A_251 = tpu.vector_load_idx %arg9[%add3A_237, %broadcast_in_dim3A_171] : memref<512x32xf32, #tpu.memory_space<vmem>>[vector<16xi32>, vector<16xi32>], vector<16xf32>,
      %gather3A_252 = tpu.vector_load_idx %arg10[%add3A_237, %broadcast_in_dim3A_171] : memref<512x32xf32, #tpu.memory_space<vmem>>[vector<16xi32>, vector<16xi32>], vector<16xf32>,
      %mul3A_253 = arith.mulf %gather3A_251, %gather3A_252 : vector<16xf32>
      %add3A_254 = arith.addf %add3A_250, %mul3A_253 : vector<16xf32>
      %gather3A_255 = tpu.vector_load_idx %arg9[%add3A_237, %broadcast_in_dim3A_173] : memref<512x32xf32, #tpu.memory_space<vmem>>[vector<16xi32>, vector<16xi32>], vector<16xf32>,
      %gather3A_256 = tpu.vector_load_idx %arg10[%add3A_237, %broadcast_in_dim3A_173] : memref<512x32xf32, #tpu.memory_space<vmem>>[vector<16xi32>, vector<16xi32>], vector<16xf32>,
      %mul3A_257 = arith.mulf %gather3A_255, %gather3A_256 : vector<16xf32>
      %add3A_258 = arith.addf %add3A_254, %mul3A_257 : vector<16xf32>
      %gather3A_259 = tpu.vector_load_idx %arg9[%add3A_237, %broadcast_in_dim3A_175] : memref<512x32xf32, #tpu.memory_space<vmem>>[vector<16xi32>, vector<16xi32>], vector<16xf32>,
      %gather3A_260 = tpu.vector_load_idx %arg10[%add3A_237, %broadcast_in_dim3A_175] : memref<512x32xf32, #tpu.memory_space<vmem>>[vector<16xi32>, vector<16xi32>], vector<16xf32>,
      %mul3A_261 = arith.mulf %gather3A_259, %gather3A_260 : vector<16xf32>
      %add3A_262 = arith.addf %add3A_258, %mul3A_261 : vector<16xf32>
      %gather3A_263 = tpu.vector_load_idx %arg9[%add3A_237, %broadcast_in_dim3A_177] : memref<512x32xf32, #tpu.memory_space<vmem>>[vector<16xi32>, vector<16xi32>], vector<16xf32>,
      %gather3A_264 = tpu.vector_load_idx %arg10[%add3A_237, %broadcast_in_dim3A_177] : memref<512x32xf32, #tpu.memory_space<vmem>>[vector<16xi32>, vector<16xi32>], vector<16xf32>,
      %mul3A_265 = arith.mulf %gather3A_263, %gather3A_264 : vector<16xf32>
      %add3A_266 = arith.addf %add3A_262, %mul3A_265 : vector<16xf32>
      %gather3A_267 = tpu.vector_load_idx %arg9[%add3A_237, %broadcast_in_dim3A_179] : memref<512x32xf32, #tpu.memory_space<vmem>>[vector<16xi32>, vector<16xi32>], vector<16xf32>,
      %gather3A_268 = tpu.vector_load_idx %arg10[%add3A_237, %broadcast_in_dim3A_179] : memref<512x32xf32, #tpu.memory_space<vmem>>[vector<16xi32>, vector<16xi32>], vector<16xf32>,
      %mul3A_269 = arith.mulf %gather3A_267, %gather3A_268 : vector<16xf32>
      %add3A_270 = arith.addf %add3A_266, %mul3A_269 : vector<16xf32>
      %gather3A_271 = tpu.vector_load_idx %arg9[%add3A_237, %broadcast_in_dim3A_181] : memref<512x32xf32, #tpu.memory_space<vmem>>[vector<16xi32>, vector<16xi32>], vector<16xf32>,
      %gather3A_272 = tpu.vector_load_idx %arg10[%add3A_237, %broadcast_in_dim3A_181] : memref<512x32xf32, #tpu.memory_space<vmem>>[vector<16xi32>, vector<16xi32>], vector<16xf32>,
      %mul3A_273 = arith.mulf %gather3A_271, %gather3A_272 : vector<16xf32>
      %add3A_274 = arith.addf %add3A_270, %mul3A_273 : vector<16xf32>
      %gather3A_275 = tpu.vector_load_idx %arg9[%add3A_237, %broadcast_in_dim3A_183] : memref<512x32xf32, #tpu.memory_space<vmem>>[vector<16xi32>, vector<16xi32>], vector<16xf32>,
      %gather3A_276 = tpu.vector_load_idx %arg10[%add3A_237, %broadcast_in_dim3A_183] : memref<512x32xf32, #tpu.memory_space<vmem>>[vector<16xi32>, vector<16xi32>], vector<16xf32>,
      %mul3A_277 = arith.mulf %gather3A_275, %gather3A_276 : vector<16xf32>
      %add3A_278 = arith.addf %add3A_274, %mul3A_277 : vector<16xf32>
      %gather3A_279 = tpu.vector_load_idx %arg9[%add3A_237, %broadcast_in_dim3A_185] : memref<512x32xf32, #tpu.memory_space<vmem>>[vector<16xi32>, vector<16xi32>], vector<16xf32>,
      %gather3A_280 = tpu.vector_load_idx %arg10[%add3A_237, %broadcast_in_dim3A_185] : memref<512x32xf32, #tpu.memory_space<vmem>>[vector<16xi32>, vector<16xi32>], vector<16xf32>,
      %mul3A_281 = arith.mulf %gather3A_279, %gather3A_280 : vector<16xf32>
      %add3A_282 = arith.addf %add3A_278, %mul3A_281 : vector<16xf32>
      %gather3A_283 = tpu.vector_load_idx %arg9[%add3A_237, %broadcast_in_dim3A_187] : memref<512x32xf32, #tpu.memory_space<vmem>>[vector<16xi32>, vector<16xi32>], vector<16xf32>,
      %gather3A_284 = tpu.vector_load_idx %arg10[%add3A_237, %broadcast_in_dim3A_187] : memref<512x32xf32, #tpu.memory_space<vmem>>[vector<16xi32>, vector<16xi32>], vector<16xf32>,
      %mul3A_285 = arith.mulf %gather3A_283, %gather3A_284 : vector<16xf32>
      %add3A_286 = arith.addf %add3A_282, %mul3A_285 : vector<16xf32>
      %gather3A_287 = tpu.vector_load_idx %arg9[%add3A_237, %broadcast_in_dim3A_189] : memref<512x32xf32, #tpu.memory_space<vmem>>[vector<16xi32>, vector<16xi32>], vector<16xf32>,
      %gather3A_288 = tpu.vector_load_idx %arg10[%add3A_237, %broadcast_in_dim3A_189] : memref<512x32xf32, #tpu.memory_space<vmem>>[vector<16xi32>, vector<16xi32>], vector<16xf32>,
      %mul3A_289 = arith.mulf %gather3A_287, %gather3A_288 : vector<16xf32>
      %add3A_290 = arith.addf %add3A_286, %mul3A_289 : vector<16xf32>
      %gather3A_291 = tpu.vector_load_idx %arg9[%add3A_237, %broadcast_in_dim3A_191] : memref<512x32xf32, #tpu.memory_space<vmem>>[vector<16xi32>, vector<16xi32>], vector<16xf32>,
      %gather3A_292 = tpu.vector_load_idx %arg10[%add3A_237, %broadcast_in_dim3A_191] : memref<512x32xf32, #tpu.memory_space<vmem>>[vector<16xi32>, vector<16xi32>], vector<16xf32>,
      %mul3A_293 = arith.mulf %gather3A_291, %gather3A_292 : vector<16xf32>
      %add3A_294 = arith.addf %add3A_290, %mul3A_293 : vector<16xf32>
      %gather3A_295 = tpu.vector_load_idx %arg9[%add3A_237, %broadcast_in_dim3A_193] : memref<512x32xf32, #tpu.memory_space<vmem>>[vector<16xi32>, vector<16xi32>], vector<16xf32>,
      %gather3A_296 = tpu.vector_load_idx %arg10[%add3A_237, %broadcast_in_dim3A_193] : memref<512x32xf32, #tpu.memory_space<vmem>>[vector<16xi32>, vector<16xi32>], vector<16xf32>,
      %mul3A_297 = arith.mulf %gather3A_295, %gather3A_296 : vector<16xf32>
      %add3A_298 = arith.addf %add3A_294, %mul3A_297 : vector<16xf32>
      %gather3A_299 = tpu.vector_load_idx %arg9[%add3A_237, %broadcast_in_dim3A_195] : memref<512x32xf32, #tpu.memory_space<vmem>>[vector<16xi32>, vector<16xi32>], vector<16xf32>,
      %gather3A_300 = tpu.vector_load_idx %arg10[%add3A_237, %broadcast_in_dim3A_195] : memref<512x32xf32, #tpu.memory_space<vmem>>[vector<16xi32>, vector<16xi32>], vector<16xf32>,
      %mul3A_301 = arith.mulf %gather3A_299, %gather3A_300 : vector<16xf32>
      %add3A_302 = arith.addf %add3A_298, %mul3A_301 : vector<16xf32>
      %gather3A_303 = tpu.vector_load_idx %arg9[%add3A_237, %broadcast_in_dim3A_197] : memref<512x32xf32, #tpu.memory_space<vmem>>[vector<16xi32>, vector<16xi32>], vector<16xf32>,
      %gather3A_304 = tpu.vector_load_idx %arg10[%add3A_237, %broadcast_in_dim3A_197] : memref<512x32xf32, #tpu.memory_space<vmem>>[vector<16xi32>, vector<16xi32>], vector<16xf32>,
      %mul3A_305 = arith.mulf %gather3A_303, %gather3A_304 : vector<16xf32>
      %add3A_306 = arith.addf %add3A_302, %mul3A_305 : vector<16xf32>
      %gather3A_307 = tpu.vector_load_idx %arg9[%add3A_237, %broadcast_in_dim3A_199] : memref<512x32xf32, #tpu.memory_space<vmem>>[vector<16xi32>, vector<16xi32>], vector<16xf32>,
      %gather3A_308 = tpu.vector_load_idx %arg10[%add3A_237, %broadcast_in_dim3A_199] : memref<512x32xf32, #tpu.memory_space<vmem>>[vector<16xi32>, vector<16xi32>], vector<16xf32>,
      %mul3A_309 = arith.mulf %gather3A_307, %gather3A_308 : vector<16xf32>
      %add3A_310 = arith.addf %add3A_306, %mul3A_309 : vector<16xf32>
      %gather3A_311 = tpu.vector_load_idx %arg9[%add3A_237, %broadcast_in_dim3A_201] : memref<512x32xf32, #tpu.memory_space<vmem>>[vector<16xi32>, vector<16xi32>], vector<16xf32>,
      %gather3A_312 = tpu.vector_load_idx %arg10[%add3A_237, %broadcast_in_dim3A_201] : memref<512x32xf32, #tpu.memory_space<vmem>>[vector<16xi32>, vector<16xi32>], vector<16xf32>,
      %mul3A_313 = arith.mulf %gather3A_311, %gather3A_312 : vector<16xf32>
      %add3A_314 = arith.addf %add3A_310, %mul3A_313 : vector<16xf32>
      %gather3A_315 = tpu.vector_load_idx %arg9[%add3A_237, %broadcast_in_dim3A_203] : memref<512x32xf32, #tpu.memory_space<vmem>>[vector<16xi32>, vector<16xi32>], vector<16xf32>,
      %gather3A_316 = tpu.vector_load_idx %arg10[%add3A_237, %broadcast_in_dim3A_203] : memref<512x32xf32, #tpu.memory_space<vmem>>[vector<16xi32>, vector<16xi32>], vector<16xf32>,
      %mul3A_317 = arith.mulf %gather3A_315, %gather3A_316 : vector<16xf32>
      %add3A_318 = arith.addf %add3A_314, %mul3A_317 : vector<16xf32>
      %gather3A_319 = tpu.vector_load_idx %arg9[%add3A_237, %broadcast_in_dim3A_205] : memref<512x32xf32, #tpu.memory_space<vmem>>[vector<16xi32>, vector<16xi32>], vector<16xf32>,
      %gather3A_320 = tpu.vector_load_idx %arg10[%add3A_237, %broadcast_in_dim3A_205] : memref<512x32xf32, #tpu.memory_space<vmem>>[vector<16xi32>, vector<16xi32>], vector<16xf32>,
      %mul3A_321 = arith.mulf %gather3A_319, %gather3A_320 : vector<16xf32>
      %add3A_322 = arith.addf %add3A_318, %mul3A_321 : vector<16xf32>
      %gather3A_323 = tpu.vector_load_idx %arg9[%add3A_237, %broadcast_in_dim3A_207] : memref<512x32xf32, #tpu.memory_space<vmem>>[vector<16xi32>, vector<16xi32>], vector<16xf32>,
      %gather3A_324 = tpu.vector_load_idx %arg10[%add3A_237, %broadcast_in_dim3A_207] : memref<512x32xf32, #tpu.memory_space<vmem>>[vector<16xi32>, vector<16xi32>], vector<16xf32>,
      %mul3A_325 = arith.mulf %gather3A_323, %gather3A_324 : vector<16xf32>
      %add3A_326 = arith.addf %add3A_322, %mul3A_325 : vector<16xf32>
      %gather3A_327 = tpu.vector_load_idx %arg9[%add3A_237, %broadcast_in_dim3A_209] : memref<512x32xf32, #tpu.memory_space<vmem>>[vector<16xi32>, vector<16xi32>], vector<16xf32>,
      %gather3A_328 = tpu.vector_load_idx %arg10[%add3A_237, %broadcast_in_dim3A_209] : memref<512x32xf32, #tpu.memory_space<vmem>>[vector<16xi32>, vector<16xi32>], vector<16xf32>,
      %mul3A_329 = arith.mulf %gather3A_327, %gather3A_328 : vector<16xf32>
      %add3A_330 = arith.addf %add3A_326, %mul3A_329 : vector<16xf32>
      %gather3A_331 = tpu.vector_load_idx %arg9[%add3A_237, %broadcast_in_dim3A_211] : memref<512x32xf32, #tpu.memory_space<vmem>>[vector<16xi32>, vector<16xi32>], vector<16xf32>,
      %gather3A_332 = tpu.vector_load_idx %arg10[%add3A_237, %broadcast_in_dim3A_211] : memref<512x32xf32, #tpu.memory_space<vmem>>[vector<16xi32>, vector<16xi32>], vector<16xf32>,
      %mul3A_333 = arith.mulf %gather3A_331, %gather3A_332 : vector<16xf32>
      %add3A_334 = arith.addf %add3A_330, %mul3A_333 : vector<16xf32>
      %gather3A_335 = tpu.vector_load_idx %arg9[%add3A_237, %broadcast_in_dim3A_213] : memref<512x32xf32, #tpu.memory_space<vmem>>[vector<16xi32>, vector<16xi32>], vector<16xf32>,
      %gather3A_336 = tpu.vector_load_idx %arg10[%add3A_237, %broadcast_in_dim3A_213] : memref<512x32xf32, #tpu.memory_space<vmem>>[vector<16xi32>, vector<16xi32>], vector<16xf32>,
      %mul3A_337 = arith.mulf %gather3A_335, %gather3A_336 : vector<16xf32>
      %add3A_338 = arith.addf %add3A_334, %mul3A_337 : vector<16xf32>
      %gather3A_339 = tpu.vector_load_idx %arg9[%add3A_237, %broadcast_in_dim3A_215] : memref<512x32xf32, #tpu.memory_space<vmem>>[vector<16xi32>, vector<16xi32>], vector<16xf32>,
      %gather3A_340 = tpu.vector_load_idx %arg10[%add3A_237, %broadcast_in_dim3A_215] : memref<512x32xf32, #tpu.memory_space<vmem>>[vector<16xi32>, vector<16xi32>], vector<16xf32>,
      %mul3A_341 = arith.mulf %gather3A_339, %gather3A_340 : vector<16xf32>
      %add3A_342 = arith.addf %add3A_338, %mul3A_341 : vector<16xf32>
      %gather3A_343 = tpu.vector_load_idx %arg9[%add3A_237, %broadcast_in_dim3A_217] : memref<512x32xf32, #tpu.memory_space<vmem>>[vector<16xi32>, vector<16xi32>], vector<16xf32>,
      %gather3A_344 = tpu.vector_load_idx %arg10[%add3A_237, %broadcast_in_dim3A_217] : memref<512x32xf32, #tpu.memory_space<vmem>>[vector<16xi32>, vector<16xi32>], vector<16xf32>,
      %mul3A_345 = arith.mulf %gather3A_343, %gather3A_344 : vector<16xf32>
      %add3A_346 = arith.addf %add3A_342, %mul3A_345 : vector<16xf32>
      %gather3A_347 = tpu.vector_load_idx %arg9[%add3A_237, %broadcast_in_dim3A_219] : memref<512x32xf32, #tpu.memory_space<vmem>>[vector<16xi32>, vector<16xi32>], vector<16xf32>,
      %gather3A_348 = tpu.vector_load_idx %arg10[%add3A_237, %broadcast_in_dim3A_219] : memref<512x32xf32, #tpu.memory_space<vmem>>[vector<16xi32>, vector<16xi32>], vector<16xf32>,
      %mul3A_349 = arith.mulf %gather3A_347, %gather3A_348 : vector<16xf32>
      %add3A_350 = arith.addf %add3A_346, %mul3A_349 : vector<16xf32>
      %gather3A_351 = tpu.vector_load_idx %arg9[%add3A_237, %broadcast_in_dim3A_221] : memref<512x32xf32, #tpu.memory_space<vmem>>[vector<16xi32>, vector<16xi32>], vector<16xf32>,
      %gather3A_352 = tpu.vector_load_idx %arg10[%add3A_237, %broadcast_in_dim3A_221] : memref<512x32xf32, #tpu.memory_space<vmem>>[vector<16xi32>, vector<16xi32>], vector<16xf32>,
      %mul3A_353 = arith.mulf %gather3A_351, %gather3A_352 : vector<16xf32>
      %add3A_354 = arith.addf %add3A_350, %mul3A_353 : vector<16xf32>
      %gather3A_355 = tpu.vector_load_idx %arg9[%add3A_237, %broadcast_in_dim3A_223] : memref<512x32xf32, #tpu.memory_space<vmem>>[vector<16xi32>, vector<16xi32>], vector<16xf32>,
      %gather3A_356 = tpu.vector_load_idx %arg10[%add3A_237, %broadcast_in_dim3A_223] : memref<512x32xf32, #tpu.memory_space<vmem>>[vector<16xi32>, vector<16xi32>], vector<16xf32>,
      %mul3A_357 = arith.mulf %gather3A_355, %gather3A_356 : vector<16xf32>
      %add3A_358 = arith.addf %add3A_354, %mul3A_357 : vector<16xf32>
      %gather3A_359 = tpu.vector_load_idx %arg9[%add3A_237, %broadcast_in_dim3A_225] : memref<512x32xf32, #tpu.memory_space<vmem>>[vector<16xi32>, vector<16xi32>], vector<16xf32>,
      %gather3A_360 = tpu.vector_load_idx %arg10[%add3A_237, %broadcast_in_dim3A_225] : memref<512x32xf32, #tpu.memory_space<vmem>>[vector<16xi32>, vector<16xi32>], vector<16xf32>,
      %mul3A_361 = arith.mulf %gather3A_359, %gather3A_360 : vector<16xf32>
      %add3A_362 = arith.addf %add3A_358, %mul3A_361 : vector<16xf32>
      %gather3A_363 = tpu.vector_load_idx %arg9[%add3A_237, %broadcast_in_dim3A_227] : memref<512x32xf32, #tpu.memory_space<vmem>>[vector<16xi32>, vector<16xi32>], vector<16xf32>,
      %gather3A_364 = tpu.vector_load_idx %arg10[%add3A_237, %broadcast_in_dim3A_227] : memref<512x32xf32, #tpu.memory_space<vmem>>[vector<16xi32>, vector<16xi32>], vector<16xf32>,
      %mul3A_365 = arith.mulf %gather3A_363, %gather3A_364 : vector<16xf32>
      %add3A_366 = arith.addf %add3A_362, %mul3A_365 : vector<16xf32>
      %mul3A_367 = arith.constant 16 : i32
      %mul3A_368 = arith.muli %scan3A_233, %mul3A_367 : i32
      %swap3A = arith.index_cast %mul3A_368 : i32 to index
      %swap3A_369 = tpu.vector_load %arg11[%swap3A] {strides = array<i32>} : memref<512xf32, #tpu.memory_space<vmem>>, vector<16xf32>,
      tpu.vector_store %arg11[%swap3A], %add3A_366 {strides = array<i32>} : memref<512xf32, #tpu.memory_space<vmem>>, vector<16xf32>,
    }
    %scan3A_232 = arith.constant 32 : i32
    "tpu.region"() ({
      %run_scoped3A = tpu.sem_alloc : memref<!tpu.dma_semaphore, #tpu.memory_space<semaphore_mem>>
      %dma_start3A_233 = tpu.memref_slice %arg6[%mul3A_2] : memref<16384xf32, #tpu.memory_space<hbm>> -> memref<512xf32, #tpu.memory_space<hbm>>
      %dma_start3A_234 = tpu.memref_slice %arg6[%mul3A_2] : memref<16384xf32, #tpu.memory_space<hbm>> -> memref<512xf32, #tpu.memory_space<hbm>>
      tpu.enqueue_dma source(%arg11 : memref<512xf32, #tpu.memory_space<vmem>>) target(%dma_start3A_234 : memref<512xf32, #tpu.memory_space<hbm>>) target_semaphore(%run_scoped3A : memref<!tpu.dma_semaphore, #tpu.memory_space<semaphore_mem>>)
      %dma_wait3A_235 = tpu.memref_slice %arg6[%mul3A_2] : memref<16384xf32, #tpu.memory_space<hbm>> -> memref<512xf32, #tpu.memory_space<hbm>>
      %dma_wait3A_236 = tpu.memref_slice %arg6[%mul3A_2] : memref<16384xf32, #tpu.memory_space<hbm>> -> memref<512xf32, #tpu.memory_space<hbm>>
      tpu.wait_dma2 semaphore(%run_scoped3A : memref<!tpu.dma_semaphore, #tpu.memory_space<semaphore_mem>>) src(%arg11 : memref<512xf32, #tpu.memory_space<vmem>>) dst(%dma_wait3A_236 : memref<512xf32, #tpu.memory_space<hbm>>)
      tpu.yield
    }) : () -> ()
    return
  }
}

</mosaic_0001>

<sc_bundles>
// kernel: kernel.3.cloned.1.call-start
scs
__scs_entry_jumppad:
0x0: {  	(pc) =	sbr.rel $0x88, $3  }
0x1: {  	(tag) =	ssettag $0x0;
	lr =	simm.s32 $0x1  }
0x2: {  	[smem:$0x3F9D] =	sst lr;
	_ =	strace $0xD0000000  }
0x3: {  	_ = 	snop  }
0x4: {  	_ = 	snop  }
0x5: {  	_ = 	snop  }
0x6: {  	_ = 	snop  }
0x7: {  	_ = 	snop  }
__scs_overlays_trampoline_lowered:
0x8: {  	[smem:$0x3FAC] =	sst s0  }
0x9: {  	[smem:$0x3FAD] =	sst s1  }
0xa: {  	[smem:$0x3FAE] =	sst s2  }
0xb: {  	[smem:$0x3FAF] =	sst s3  }
0xc: {  	[smem:$0x3FB0] =	sst s4  }
0xd: {  	[smem:$0x3FB1] =	sst s5  }
0xe: {  	[smem:$0x3FB2] =	sst s6  }
0xf: {  	[smem:$0x3FB3] =	sst s7  }
0x10: {  	[smem:$0x3FB4] =	sst s8  }
0x11: {  	[smem:$0x3FB5] =	sst s9;
	s0 =	simm.s32 @!p0 $0x0  }
0x12: {  	s1 =	sld [smem:$0x3F9B];
	s0 =	simm.s32 @p0 $0x1  }
0x13: {  	[smem:$0x3FB6] =	sst s0;
	s0 =	simm.s32 @!p1 $0x0  }
0x14: {  	s2 =	sld [smem:$0x3F9A];
	s0 =	simm.s32 @p1 $0x1  }
0x15: {  	[smem:$0x3FB7] =	sst s0;
	s0 =	simm.s32 @!p2 $0x0  }
0x16: {  	s3 =	sld [smem:$0x3FDB];
	s0 =	simm.s32 @p2 $0x1  }
0x17: {  	s4 =	simm.s32 $0x1BF5;
	[smem:$0x3FB9] =	sst s0  }
0x18: {  	s0 =	sld [smem:$0x3F9C];
	_ =	swait.ge [sflag:s4], $0x0  }
0x19: {  	s7 =	sld [smem:$0x3F9D]  }
0x1a: {  	s8 =	sadd.s32 $0xFFFFE003, lr  }
0x1b: {  	s9 =	sadd.s32 $0xFFFFFEF7, lr;
	s5 =	simm.s32 $0xFFFFFFFF;
	p2 =	slt.u32 s8, $0xFFFFF086  }
0x1c: {  	p1 =	slt.u32 s9, $0xF7A;
	s5 =	simm.s32 @!p2 $0x0  }
0x1d: {  	s5 =	simm.s32 @p1 $0x1;
	p0 =	seq.s32 s7, s2  }
0x1e: {  	s7 =	smul.u32 @!p0 $0xF7A, s2;
	p2 =	seq.s32 @!p0 s5, $0x0  }
0x1f: {  	s9 =	smul.u32 $0xF7A, s1;
	s8 =	simm.s32 @!p0 $0x1BF5;
	p2 =	por !p2, p0  }
0x20: {  	[sflag:s8] =	ssyncset.s32 @!p0 $0xFFFFF086;
	s6 =	sadd.s32 @!p0 s3, s7;
	s7 =	simm.s32 @!p0 $0x108  }
0x21: {  	s3 =	sadd.s32 s3, s9;
	s6 =	sadd.s32 @!p0 $0x88, s6;
	s7 =	simm.s32 @p2 $0x1082  }
0x22: {  	[simem:s7], [sflag:s8] =	dma.local @!p0 [hbm:s6], $0xF7A  }
0x23: {  	s9 =	sor.u32 $0xD0000000, s2;
	s6 =	simm.s32 $0x108;
	_ =	swait.ge @!p0 [sflag:s8], $0x0  }
0x24: {  	s3 =	sadd.s32 $0x88, s3;
	s6 =	simm.s32 @!p1 $0x1082;
	[sflag:s4] =	ssyncset.s32 $0xFFFFF086  }
0x25: {  	[simem:s6], [sflag:s4] =	dma.local [hbm:s3], $0xF7A  }
0x26: {  	[smem:$0x3F9D] =	sst s1;
	(tag) =	ssettag s2;
	_ =	strace s9  }
0x27: {  	s1 =	sld [smem:$0x3FAD]  }
0x28: {  	s2 =	sld [smem:$0x3FAE]  }
0x29: {  	s4 =	sld [smem:$0x3FB0]  }
0x2a: {  	p0 =	seq.s32 s5, $0x0;
	s5 =	sld [smem:$0x3FB1]  }
0x2b: {  	s6 =	sld [smem:$0x3FB2]  }
0x2c: {  	s7 =	sld [smem:$0x3FB3]  }
0x2d: {  	s3 =	simm.s32 $0x108;
	s8 =	sld [smem:$0x3FB4]  }
0x2e: {  	s3 =	simm.s32 @!p0 $0x1082;
	s9 =	sld [smem:$0x3FB5]  }
0x2f: {  	lr =	sadd.s32 s0, s3;
	s0 =	sld [smem:$0x3FAC]  }
0x30: {  	s3 =	sld [smem:$0x3FAF]  }
0x31: {  	[smem:$0x3FB8] =	sst s10  }
0x32: {  	s10 =	sld [smem:$0x3FB6];
	_ =	sdelay $0x3  }
0x33: {  	p0 =	seq.s32 s10, $0x1;
	s10 =	sld [smem:$0x3FB8];
	_ =	sdelay $0x3  }
0x34: {  	[smem:$0x3FB8] =	sst s10  }
0x35: {  	s10 =	sld [smem:$0x3FB7];
	_ =	sdelay $0x3  }
0x36: {  	p1 =	seq.s32 s10, $0x1;
	s10 =	sld [smem:$0x3FB8];
	_ =	sdelay $0x3  }
0x37: {  	[smem:$0x3FB8] =	sst s10  }
0x38: {  	s10 =	sld [smem:$0x3FB9]  }
0x39: {  	_ = 	snop;
	(pc) =	sbr.ind lr, $3  }
0x3a: {  	_ = 	snop  }
0x3b: {  	_ = 	snop  }
0x3c: {  	p2 =	seq.s32 s10, $0x1;
	s10 =	sld [smem:$0x3FB8]  }
0x3d: {  	_ =	shalt  }
0x3e: {  	_ =	shalt  }
0x3f: {  	_ =	shalt  }
0x40: {  	_ =	shalt  }
0x41: {  	_ =	shalt  }
0x42: {  	_ =	shalt  }
0x43: {  	_ =	shalt  }
0x44: {  	_ =	shalt  }
0x45: {  	_ =	shalt  }
0x46: {  	_ =	shalt  }
0x47: {  	_ =	shalt  }
0x48: {  	_ =	shalt  }
0x49: {  	_ =	shalt  }
0x4a: {  	_ =	shalt  }
0x4b: {  	_ =	shalt  }
0x4c: {  	_ =	shalt  }
0x4d: {  	_ =	shalt  }
0x4e: {  	_ =	shalt  }
0x4f: {  	_ =	shalt  }
0x50: {  	_ =	shalt  }
0x51: {  	_ =	shalt  }
0x52: {  	_ =	shalt  }
0x53: {  	_ =	shalt  }
0x54: {  	_ =	shalt  }
0x55: {  	_ =	shalt  }
0x56: {  	_ =	shalt  }
0x57: {  	_ =	shalt  }
0x58: {  	_ =	shalt  }
0x59: {  	_ =	shalt  }
0x5a: {  	_ =	shalt  }
0x5b: {  	_ =	shalt  }
0x5c: {  	_ =	shalt  }
0x5d: {  	_ =	shalt  }
0x5e: {  	_ =	shalt  }
0x5f: {  	_ =	shalt  }
0x60: {  	_ =	shalt  }
0x61: {  	_ =	shalt  }
0x62: {  	_ =	shalt  }
0x63: {  	_ =	shalt  }
0x64: {  	_ =	shalt  }
0x65: {  	_ =	shalt  }
0x66: {  	_ =	shalt  }
0x67: {  	_ =	shalt  }
0x68: {  	_ =	shalt  }
0x69: {  	_ =	shalt  }
0x6a: {  	_ =	shalt  }
0x6b: {  	_ =	shalt  }
0x6c: {  	_ =	shalt  }
0x6d: {  	_ =	shalt  }
0x6e: {  	_ =	shalt  }
0x6f: {  	_ =	shalt  }
0x70: {  	_ =	shalt  }
0x71: {  	_ =	shalt  }
0x72: {  	_ =	shalt  }
0x73: {  	_ =	shalt  }
0x74: {  	_ =	shalt  }
0x75: {  	_ =	shalt  }
0x76: {  	_ =	shalt  }
0x77: {  	_ =	shalt  }
0x78: {  	_ =	shalt  }
0x79: {  	_ =	shalt  }
0x7a: {  	_ =	shalt  }
0x7b: {  	_ =	shalt  }
0x7c: {  	_ =	shalt  }
0x7d: {  	_ =	shalt  }
0x7e: {  	_ =	shalt  }
0x7f: {  	_ =	shalt  }
0x80: {  	_ =	shalt  }
0x81: {  	_ =	shalt  }
0x82: {  	_ =	shalt  }
0x83: {  	_ =	shalt  }
0x84: {  	_ =	shalt  }
0x85: {  	_ =	shalt  }
0x86: {  	_ =	shalt  }
0x87: {  	_ =	shalt  }
.Lfunc_end0:
.L_simem_size_0:
called_computation_lowered:
.L_overlay_start_0:
0x88: {  	s2 =	sld [smem:$0x3FD9]  }
0x89: {  	s3 =	sld [smem:$0x3FFE];
	_ =	sdelay $0x1  }
0x8a: {  	s1 =	srdreg.scid  }
0x8b: {  	s0 =	sand.u32 $0x1, s1  }
0x8c: {  	s17 =	sshll.u32 s0, $0xA;
	s2 =	sadd.s32 s3, s2  }
0x8d: {  	s2 =	sadd.s32 s2, s17  }
0x8e: {  	[smem:$0x3FC4] =	sst s2  }
0x8f: {  	_ = 	snop  }
0x90: {  	s2 =	sld [smem:$0x3FC9]  }
0x91: {  	s18 =	sld [smem:$0x3FC8]  }
0x92: {  	s4 =	sld [smem:$0x3FD0];
	(tm) =	ssettm $0x1  }
0x93: {  	s5 =	sld [smem:$0x3FFB];
	_ =	sdelay $0x3  }
0x94: {  	_ =	strace s5  }
0x95: {  	s5 =	sld [smem:$0x3FFC];
	_ =	sdelay $0x3  }
0x96: {  	_ =	strace s5  }
0x97: {  	s5 =	sld [smem:$0x3FFD];
	_ =	sdelay $0x3  }
0x98: {  	_ =	strace s5  }
0x99: {  	_ =	strace $0x8FFFFFFF  }
0x9a: {  	s19 =	sld [smem:$0x3FDB];
	_ =	sdelay $0x1  }
0x9b: {  	s6 =	simm.s32 $_scs_section_size  }
0x9c: {  	s7 =	simm.s32 $_size__tile_overlayer_lowered;
	s8 =	simm.s32 $_tile_overlayer_lowered  }
0x9d: {  	s22 =	simm.s32 $0x1BFF;
	s21 =	sshll.u32 s8, $0x1;
	s5 =	sadd.s32 s6, s19  }
0x9e: {  	s9 =	simm.s32 $0x0;
	s20 =	sshll.u32 s7, $0x1;
	s7 =	sadd.s32 s21, s5  }
0x9f: {  	[timem:s9], [sflag:s22] =	dma.local [hbm:s7], s20  }
0xa0: {  	_ =	swait.ge [sflag:s22], s20  }
0xa1: {  	s6 =	ssub.s32 $0x0, s20;
	[sflag:s22] =	ssyncset.done $0x0  }
0xa2: {  	[sflag:s22] =	ssyncadd.s32 s6;
	_ =	sdelay $0x1  }
0xa3: {  	s23 =	simm.s32 $0x1B8B  }
0xa4: {  	_ =	swait.ge [sflag:s23], $0x1  }
0xa5: {  	[sflag:s23] =	ssyncset.done $0x0  }
0xa6: {  	s25 =	simm.s32 $0x1B8E;
	s24 =	sld [smem:$0x3FFE];
	[sflag:s23] =	ssyncadd.s32 $0xFFFFFFFF  }
0xa7: {  	s26 =	simm.s32 $execute0_lowered;
	[smem:$0x3FD2] =	sst s25  }
0xa8: {  	s7 =	sshll.u32 s26, $0x1;
	_ =	strace $0x80000046;
	[dreg:$0x1] =	wrdreg $0xFFFFFFFF  }
0xa9: {  	s28 =	simm.s32 $_size_execute0_lowered;
	s5 =	sadd.s32 s5, s7;
	[dreg:$0x0] =	wrdreg $0x0  }
0xaa: {  	s7 =	sshll.u32 s28, $0x1;
	[dreg:$0x2] =	wrdreg s5  }
0xab: {  	[dreg:$0x3] =	wrdreg s7  }
0xac: {  	[dreg:$0x4] =	wrdreg $0xC0  }
0xad: {  	_ =	task [dreg:s9], $0x5FFFF  }
0xae: {  	[dreg:$0x1] =	wrdreg $0xFFFFFFFF  }
0xaf: {  	[dreg:$0x0] =	wrdreg $0x60  }
0xb0: {  	[dreg:$0x2] =	wrdreg s2  }
0xb1: {  	[dreg:$0x3] =	wrdreg s18  }
0xb2: {  	[dreg:$0x4] =	wrdreg s24  }
0xb3: {  	[dreg:$0x5] =	wrdreg s4  }
0xb4: {  	[dreg:$0x6] =	wrdreg $0x9  }
0xb5: {  	_ =	task.clear_ibuf [dreg:s9], $0x7FFFF;
	_ =	strace $0x90000046  }
0xb6: {  	s29 =	simm.s32 $0x9;
	_ =	strace $0x80000048  }
0xb7: {  	_ =	swait.ge [sflag:s29], $0x1  }
0xb8: {  	[sflag:s29] =	ssyncadd.s32 $0xFFFFFFFF  }
0xb9: {  	_ =	strace $0x90000048  }
0xba: {  	_ =	sfence  }
0xbb: {  	s30 =	sld [smem:$0x0];
	_ =	sdelay $0x2  }
0xbc: {  	s31 =	sshll.u32 s1, $0xD;
	s1 =	sshrl.u32 s1, $0x2  }
0xbd: {  	s3 =	sand.u32 $0x4000, s31;
	s1 =	sadd.s32 s1, s30  }
0xbe: {  	s0 =	sor.u32 s3, s0;
	s1 =	sshll.u32 s1, $0x11  }
0xbf: {  	s0 =	sor.u32 s1, s0  }
0xc0: {  	s0 =	sadd.s32 $0x8F2B, s0  }
0xc1: {  	[sflag:s0] =	ssyncadd.remote.s32 $0x1  }
0xc2: {  	_ =	sfence.sel $0xFFFF  }
0xc3: {  	[dreg:$0x0] =	wrdreg $0xFFFFFFFF;
	(pc) =	sbr.abs _section_cstart, $3  }
0xc4: {  	[dreg:$0x1] =	wrdreg $0xFFFFFFFF  }
0xc5: {  	_ =	task.clear_ibuf [dreg:s9], $0x2FFFF;
	_ =	strace $0x9FFFFFFF  }
0xc6: {  	(tm) =	ssettm $0x7FFFFFFF  }
0xc7: {  	_ =	shalt  }
tec
execute0_lowered:
.L_overlay_start_1:
0x0: {  	(tag) =	ssettag $0x1  }
0x1: {  	s5 =	rddreg [dreg:$0x0]  }
0x2: {  	s6 =	rddreg [dreg:$0x1]  }
0x3: {  	s4 =	rddreg [dreg:$0x2]  }
0x4: {  	s7 =	rddreg [dreg:$0x3]  }
0x5: {  	s0 =	rddreg [dreg:$0x4];
	s1 =	simm.s32 $0x0;
	s2 =	srdreg.scid  }
0x6: {  	s12 =	simm.s32 $0x400;
	s13 =	simm.s32 $0x4400;
	s14 =	simm.s32 $0x1400  }
0x7: {  	s15 =	simm.s32 $0x280;
	s16 =	simm.s32 $0x5400;
	s17 =	simm.s32 $0x100  }
0x8: {  	s18 =	simm.s32 $0x2400;
	s19 =	simm.s32 $0x300;
	s20 =	simm.s32 $0x6400  }
0x9: {  	s21 =	simm.s32 $0x180;
	s22 =	simm.s32 $0x3400;
	s23 =	simm.s32 $0x380  }
0xa: {  	s24 =	simm.s32 $0x7400;
	s25 =	simm.s32 $0x1;
	s26 =	simm.s32 $0x2  }
0xb: {  	s28 =	simm.s32 $0x8400;
	s29 =	simm.s32 $0x0;
	[smem:$0x7FF] =	sst s1  }
0xc: {  	s8 =	sand.u32 $0x1, s2;
	s3 =	sadd.s32 $0xF42800, s4;
	s2 =	stileid.u32  }
0xd: {  	s4 =	sadd.s32 $0x1313200, s4;
	_ =	strace $0x80000047;
	s9 =	ssub.s32 $0x2, s8  }
0xe: {  	s11 =	sshll.u32 s2, $0x7;
	s8 =	sshll.u32 s8, $0x6;
	s10 =	sshrl.u32 s9, $0x1  }
0xf: {  	v0 =	vlaneseq.u32;
	s8 =	sor.u32 s8, s11;
	s11 =	simm.s32 $0x80;
	s9 =	ssub.s32 s9, s10  }
0x10: {  	v0 =	vmul.u32 $0x20, v0;
	s5 =	sadd.s32 s5, s8;
	s6 =	sadd.s32 s6, s8;
	s7 =	sadd.s32 s7, s8  }
0x11: {  	s10 =	simm.s32 $0x200;
	s8 =	smax.u32 s9, $0x1;
	s9 =	simm.s32 $0x3  }
.LBB2_1:
0x12: {  	[tilespmem:s1], [sflag:$0x3] =	stream.linear.gather [hbm4b:s5+s1], $0x200, $0x38;
	[tilespmem:$0x8600] =	vst v63  }
0x13: {  	_ =	swait.ge [sflag:s9], $0x200  }
0x14: {  	[sflag:s9] =	ssyncset.done $0x0  }
0x15: {  	[sflag:s9] =	ssyncadd.s32 $0xFFFFFE00  }
0x16: {  	[tilespmem:s10], [sflag:$0x3] =	stream.linear.gather [hbm4b:s6+s1], $0x200, $0x38;
	[tilespmem:$0x8600] =	vst v63  }
0x17: {  	_ =	swait.ge [sflag:s9], $0x200  }
0x18: {  	[sflag:s9] =	ssyncset.done $0x0  }
0x19: {  	[sflag:s9] =	ssyncadd.s32 $0xFFFFFE00  }
0x1a: {  	[tilespmem:s12], [sflag:$0x1] =	stream.indirect.gather [hbm4b:s3+s11], $0x20, s1, s11, $0xb8;
	[tilespmem:$0x8600] =	vst v63  }
0x1b: {  	_ = 	snop  }
0x1c: {  	[tilespmem:s13], [sflag:$0x2] =	stream.indirect.gather [hbm4b:s4+s11], $0x20, s10, s11, $0xb8;
	[tilespmem:$0x8600] =	vst v63  }
0x1d: {  	_ = 	snop  }
0x1e: {  	[tilespmem:s14], [sflag:$0x1] =	stream.indirect.gather [hbm4b:s3+s11], $0x20, s11, s11, $0xb8;
	[tilespmem:$0x8600] =	vst v63  }
0x1f: {  	_ = 	snop  }
0x20: {  	[tilespmem:s16], [sflag:$0x2] =	stream.indirect.gather [hbm4b:s4+s11], $0x20, s15, s11, $0xb8;
	[tilespmem:$0x8600] =	vst v63  }
0x21: {  	_ = 	snop  }
0x22: {  	[tilespmem:s18], [sflag:$0x1] =	stream.indirect.gather [hbm4b:s3+s11], $0x20, s17, s11, $0xb8;
	[tilespmem:$0x8600] =	vst v63  }
0x23: {  	_ = 	snop  }
0x24: {  	[tilespmem:s20], [sflag:$0x2] =	stream.indirect.gather [hbm4b:s4+s11], $0x20, s19, s11, $0xb8;
	[tilespmem:$0x8600] =	vst v63  }
0x25: {  	_ = 	snop  }
0x26: {  	[tilespmem:s22], [sflag:$0x1] =	stream.indirect.gather [hbm4b:s3+s11], $0x20, s21, s11, $0xb8;
	[tilespmem:$0x8600] =	vst v63  }
0x27: {  	_ = 	snop  }
0x28: {  	[tilespmem:s24], [sflag:$0x2] =	stream.indirect.gather [hbm4b:s4+s11], $0x20, s23, s11, $0xb8;
	[tilespmem:$0x8600] =	vst v63  }
0x29: {  	_ =	swait.ge [sflag:s25], $0x1000  }
0x2a: {  	[sflag:s25] =	ssyncset.done $0x0  }
0x2b: {  	[sflag:s25] =	ssyncadd.s32 $0xFFFFF000  }
0x2c: {  	_ =	swait.ge [sflag:s26], $0x1000  }
0x2d: {  	[sflag:s26] =	ssyncset.done $0x0  }
0x2e: {  	[sflag:s26] =	ssyncadd.s32 $0xFFFFF000  }
0x2f: {  	_ =	swait.ge [sflag:s25], $0x1000  }
0x30: {  	[sflag:s25] =	ssyncset.done $0x0  }
0x31: {  	[sflag:s25] =	ssyncadd.s32 $0xFFFFF000  }
0x32: {  	_ =	swait.ge [sflag:s26], $0x1000  }
0x33: {  	[sflag:s26] =	ssyncset.done $0x0  }
0x34: {  	[sflag:s26] =	ssyncadd.s32 $0xFFFFF000  }
0x35: {  	_ =	swait.ge [sflag:s25], $0x1000  }
0x36: {  	[sflag:s25] =	ssyncset.done $0x0  }
0x37: {  	[sflag:s25] =	ssyncadd.s32 $0xFFFFF000  }
0x38: {  	_ =	swait.ge [sflag:s26], $0x1000  }
0x39: {  	[sflag:s26] =	ssyncset.done $0x0  }
0x3a: {  	v1 =	vmov s1;
	[sflag:s26] =	ssyncadd.s32 $0xFFFFF000  }
0x3b: {  	v1 =	vshll.u32 v1, $0x5;
	_ =	swait.ge [sflag:s25], $0x1000  }
0x3c: {  	v1 =	vor.u32 v0, v1;
	[sflag:s25] =	ssyncset.done $0x0  }
0x3d: {  	[sflag:s25] =	ssyncadd.s32 $0xFFFFF000  }
0x3e: {  	v2 =	vor.u32 $0x1, v1;
	_ =	swait.ge [sflag:s26], $0x1000  }
0x3f: {  	[sflag:s26] =	ssyncset.done $0x0  }
0x40: {  	v3 =	vor.u32 $0x2, v1;
	[sflag:s26] =	ssyncadd.s32 $0xFFFFF000  }
0x41: {  	v4 =	vld.idx.msk [tilespmem:v1+s13+$0x0], $0xffff  }
0x42: {  	v6 =	vor.u32 $0x3, v1;
	v5 =	vld.idx.msk [tilespmem:v1+s12+$0x0], $0xffff  }
0x43: {  	v7 =	vld.idx.msk [tilespmem:v2+s12+$0x0], $0xffff  }
0x44: {  	v8 =	vor.u32 $0x4, v1;
	v2 =	vld.idx.msk [tilespmem:v2+s13+$0x0], $0xffff  }
0x45: {  	v9 =	vld.idx.msk [tilespmem:v3+s12+$0x0], $0xffff  }
0x46: {  	v10 =	vor.u32 $0x5, v1;
	v3 =	vld.idx.msk [tilespmem:v3+s13+$0x0], $0xffff  }
0x47: {  	v11 =	vld.idx.msk [tilespmem:v6+s12+$0x0], $0xffff;
	v4 =	vmul.f32 v4, v5  }
0x48: {  	v5 =	vld.idx.msk [tilespmem:v6+s13+$0x0], $0xffff;
	v6 =	vor.u32 $0x6, v1  }
0x49: {  	v12 =	vld.idx.msk [tilespmem:v8+s12+$0x0], $0xffff;
	v2 =	vmul.f32 v2, v7;
	v4 =	vadd.f32 $0.0e+00, v4  }
0x4a: {  	v25 =	vor.u32 $0x7, v1;
	v7 =	vld.idx.msk [tilespmem:v8+s13+$0x0], $0xffff  }
0x4b: {  	v13 =	vld.idx.msk [tilespmem:v10+s12+$0x0], $0xffff;
	v3 =	vmul.f32 v3, v9;
	v2 =	vadd.f32 v2, v4  }
0x4c: {  	v26 =	vor.u32 $0x8, v1;
	v4 =	vld.idx.msk [tilespmem:v10+s13+$0x0], $0xffff  }
0x4d: {  	v27 =	vld.idx.msk [tilespmem:v6+s12+$0x0], $0xffff;
	v2 =	vadd.f32 v3, v2;
	v3 =	vmul.f32 v5, v11  }
0x4e: {  	v5 =	vld.idx.msk [tilespmem:v6+s13+$0x0], $0xffff;
	v6 =	vor.u32 $0x9, v1  }
0x4f: {  	v28 =	vld.idx.msk [tilespmem:v25+s12+$0x0], $0xffff;
	v2 =	vadd.f32 v3, v2;
	v3 =	vmul.f32 v7, v12  }
0x50: {  	v29 =	vor.u32 $0xA, v1;
	v7 =	vld.idx.msk [tilespmem:v25+s13+$0x0], $0xffff  }
0x51: {  	v30 =	vld.idx.msk [tilespmem:v26+s12+$0x0], $0xffff;
	v2 =	vadd.f32 v3, v2;
	v3 =	vmul.f32 v4, v13  }
0x52: {  	v31 =	vor.u32 $0xB, v1;
	v4 =	vld.idx.msk [tilespmem:v26+s13+$0x0], $0xffff  }
0x53: {  	v32 =	vld.idx.msk [tilespmem:v6+s12+$0x0], $0xffff;
	v2 =	vadd.f32 v3, v2;
	v3 =	vmul.f32 v5, v27  }
0x54: {  	v5 =	vld.idx.msk [tilespmem:v6+s13+$0x0], $0xffff;
	v6 =	vor.u32 $0xC, v1  }
0x55: {  	v33 =	vld.idx.msk [tilespmem:v29+s12+$0x0], $0xffff;
	v2 =	vadd.f32 v3, v2;
	v3 =	vmul.f32 v7, v28  }
0x56: {  	v34 =	vor.u32 $0xD, v1;
	v7 =	vld.idx.msk [tilespmem:v29+s13+$0x0], $0xffff  }
0x57: {  	v35 =	vld.idx.msk [tilespmem:v31+s12+$0x0], $0xffff;
	v2 =	vadd.f32 v3, v2;
	v3 =	vmul.f32 v4, v30  }
0x58: {  	v36 =	vor.u32 $0xE, v1;
	v4 =	vld.idx.msk [tilespmem:v31+s13+$0x0], $0xffff  }
0x59: {  	v37 =	vld.idx.msk [tilespmem:v6+s12+$0x0], $0xffff;
	v2 =	vadd.f32 v3, v2;
	v3 =	vmul.f32 v5, v32  }
0x5a: {  	v5 =	vld.idx.msk [tilespmem:v6+s13+$0x0], $0xffff;
	v6 =	vor.u32 $0xF, v1  }
0x5b: {  	v38 =	vld.idx.msk [tilespmem:v34+s12+$0x0], $0xffff;
	v2 =	vadd.f32 v3, v2;
	v3 =	vmul.f32 v7, v33  }
0x5c: {  	v39 =	vor.u32 $0x10, v1;
	v7 =	vld.idx.msk [tilespmem:v34+s13+$0x0], $0xffff  }
0x5d: {  	v40 =	vld.idx.msk [tilespmem:v36+s12+$0x0], $0xffff;
	v2 =	vadd.f32 v3, v2;
	v3 =	vmul.f32 v4, v35  }
0x5e: {  	v41 =	vor.u32 $0x11, v1;
	v4 =	vld.idx.msk [tilespmem:v36+s13+$0x0], $0xffff  }
0x5f: {  	v42 =	vld.idx.msk [tilespmem:v6+s12+$0x0], $0xffff;
	v2 =	vadd.f32 v3, v2;
	v3 =	vmul.f32 v5, v37  }
0x60: {  	v5 =	vld.idx.msk [tilespmem:v6+s13+$0x0], $0xffff;
	v6 =	vor.u32 $0x12, v1  }
0x61: {  	v43 =	vld.idx.msk [tilespmem:v39+s12+$0x0], $0xffff;
	v2 =	vadd.f32 v3, v2;
	v3 =	vmul.f32 v7, v38  }
0x62: {  	v44 =	vor.u32 $0x13, v1;
	v7 =	vld.idx.msk [tilespmem:v39+s13+$0x0], $0xffff  }
0x63: {  	v45 =	vld.idx.msk [tilespmem:v41+s12+$0x0], $0xffff;
	v2 =	vadd.f32 v3, v2;
	v3 =	vmul.f32 v4, v40  }
0x64: {  	v46 =	vor.u32 $0x14, v1;
	v4 =	vld.idx.msk [tilespmem:v41+s13+$0x0], $0xffff  }
0x65: {  	v47 =	vld.idx.msk [tilespmem:v6+s12+$0x0], $0xffff;
	v2 =	vadd.f32 v3, v2;
	v3 =	vmul.f32 v5, v42  }
0x66: {  	v5 =	vld.idx.msk [tilespmem:v6+s13+$0x0], $0xffff;
	v6 =	vor.u32 $0x15, v1  }
0x67: {  	v48 =	vld.idx.msk [tilespmem:v44+s12+$0x0], $0xffff;
	v2 =	vadd.f32 v3, v2;
	v3 =	vmul.f32 v7, v43  }
0x68: {  	v49 =	vor.u32 $0x16, v1;
	v7 =	vld.idx.msk [tilespmem:v44+s13+$0x0], $0xffff  }
0x69: {  	v50 =	vld.idx.msk [tilespmem:v46+s12+$0x0], $0xffff;
	v2 =	vadd.f32 v3, v2;
	v3 =	vmul.f32 v4, v45  }
0x6a: {  	v51 =	vor.u32 $0x17, v1;
	v4 =	vld.idx.msk [tilespmem:v46+s13+$0x0], $0xffff  }
0x6b: {  	v52 =	vld.idx.msk [tilespmem:v6+s12+$0x0], $0xffff;
	v2 =	vadd.f32 v3, v2;
	v3 =	vmul.f32 v5, v47  }
0x6c: {  	v5 =	vld.idx.msk [tilespmem:v6+s13+$0x0], $0xffff;
	v6 =	vor.u32 $0x18, v1  }
0x6d: {  	v53 =	vld.idx.msk [tilespmem:v49+s12+$0x0], $0xffff;
	v2 =	vadd.f32 v3, v2;
	v3 =	vmul.f32 v7, v48  }
0x6e: {  	v54 =	vor.u32 $0x19, v1;
	v7 =	vld.idx.msk [tilespmem:v49+s13+$0x0], $0xffff  }
0x6f: {  	v55 =	vld.idx.msk [tilespmem:v51+s12+$0x0], $0xffff;
	v2 =	vadd.f32 v3, v2;
	v3 =	vmul.f32 v4, v50  }
0x70: {  	v56 =	vor.u32 $0x1A, v1;
	v4 =	vld.idx.msk [tilespmem:v51+s13+$0x0], $0xffff  }
0x71: {  	v57 =	vld.idx.msk [tilespmem:v6+s12+$0x0], $0xffff;
	v2 =	vadd.f32 v3, v2;
	v3 =	vmul.f32 v5, v52  }
0x72: {  	v5 =	vld.idx.msk [tilespmem:v6+s13+$0x0], $0xffff;
	v6 =	vor.u32 $0x1B, v1  }
0x73: {  	v58 =	vld.idx.msk [tilespmem:v54+s12+$0x0], $0xffff;
	v2 =	vadd.f32 v3, v2;
	v3 =	vmul.f32 v7, v53  }
0x74: {  	v59 =	vor.u32 $0x1C, v1;
	v7 =	vld.idx.msk [tilespmem:v54+s13+$0x0], $0xffff  }
0x75: {  	v60 =	vld.idx.msk [tilespmem:v56+s12+$0x0], $0xffff;
	v2 =	vadd.f32 v3, v2;
	v3 =	vmul.f32 v4, v55  }
0x76: {  	v61 =	vor.u32 $0x1D, v1;
	v4 =	vld.idx.msk [tilespmem:v56+s13+$0x0], $0xffff  }
0x77: {  	v62 =	vld.idx.msk [tilespmem:v6+s12+$0x0], $0xffff;
	v2 =	vadd.f32 v3, v2;
	v3 =	vmul.f32 v5, v57  }
0x78: {  	v5 =	vld.idx.msk [tilespmem:v6+s13+$0x0], $0xffff;
	v6 =	vor.u32 $0x1E, v1  }
0x79: {  	v63 =	vld.idx.msk [tilespmem:v59+s12+$0x0], $0xffff;
	v2 =	vadd.f32 v3, v2;
	v3 =	vmul.f32 v7, v58  }
0x7a: {  	v1 =	vor.u32 $0x1F, v1;
	v7 =	vld.idx.msk [tilespmem:v59+s13+$0x0], $0xffff  }
0x7b: {  	v15 =	vld.idx.msk [tilespmem:v61+s12+$0x0], $0xffff;
	v2 =	vadd.f32 v3, v2;
	v3 =	vmul.f32 v4, v60  }
0x7c: {  	v4 =	vld.idx.msk [tilespmem:v61+s13+$0x0], $0xffff  }
0x7d: {  	v16 =	vld.idx.msk [tilespmem:v6+s12+$0x0], $0xffff;
	v2 =	vadd.f32 v3, v2;
	v3 =	vmul.f32 v5, v62  }
0x7e: {  	v5 =	vld.idx.msk [tilespmem:v6+s13+$0x0], $0xffff  }
0x7f: {  	v6 =	vld.idx.msk [tilespmem:v1+s12+$0x0], $0xffff;
	v2 =	vadd.f32 v3, v2;
	v3 =	vmul.f32 v7, v63  }
0x80: {  	v7 =	vld.idx.msk [tilespmem:v1+s13+$0x0], $0xffff  }
0x81: {  	v1 =	vadd.f32 v3, v2;
	v2 =	vmul.f32 v4, v15  }
0x82: {  	s30 =	simm.s32 $0x10  }
0x83: {  	v3 =	vmov s30;
	v4 =	vmul.f32 v5, v16;
	v2 =	vadd.f32 v2, v1  }
0x84: {  	v1 =	vshll.u32 v3, $0x5  }
0x85: {  	v1 =	vor.u32 v0, v1;
	v3 =	vmul.f32 v7, v6;
	v2 =	vadd.f32 v4, v2;
	_ =	sdelay $0x1  }
0x86: {  	v4 =	vor.u32 $0x1, v1;
	v2 =	vadd.f32 v3, v2;
	_ =	sdelay $0x1  }
0x87: {  	v3 =	vor.u32 $0x2, v1;
	[tilespmem:s28+$0x0] =	vst v2  }
0x88: {  	v2 =	vld.idx.msk [tilespmem:v1+s13+$0x0], $0xffff  }
0x89: {  	v6 =	vor.u32 $0x3, v1;
	v5 =	vld.idx.msk [tilespmem:v1+s12+$0x0], $0xffff  }
0x8a: {  	v7 =	vld.idx.msk [tilespmem:v4+s12+$0x0], $0xffff  }
0x8b: {  	v17 =	vor.u32 $0x4, v1;
	v4 =	vld.idx.msk [tilespmem:v4+s13+$0x0], $0xffff  }
0x8c: {  	v18 =	vld.idx.msk [tilespmem:v3+s12+$0x0], $0xffff  }
0x8d: {  	v19 =	vor.u32 $0x5, v1;
	v3 =	vld.idx.msk [tilespmem:v3+s13+$0x0], $0xffff  }
0x8e: {  	v20 =	vld.idx.msk [tilespmem:v6+s12+$0x0], $0xffff;
	v2 =	vmul.f32 v2, v5  }
0x8f: {  	v5 =	vld.idx.msk [tilespmem:v6+s13+$0x0], $0xffff;
	v6 =	vor.u32 $0x6, v1  }
0x90: {  	v21 =	vld.idx.msk [tilespmem:v17+s12+$0x0], $0xffff;
	v4 =	vmul.f32 v4, v7;
	v2 =	vadd.f32 $0.0e+00, v2  }
0x91: {  	v22 =	vor.u32 $0x7, v1;
	v7 =	vld.idx.msk [tilespmem:v17+s13+$0x0], $0xffff  }
0x92: {  	v23 =	vld.idx.msk [tilespmem:v19+s12+$0x0], $0xffff;
	v3 =	vmul.f32 v3, v18;
	v2 =	vadd.f32 v4, v2  }
0x93: {  	v24 =	vor.u32 $0x8, v1;
	v4 =	vld.idx.msk [tilespmem:v19+s13+$0x0], $0xffff  }
0x94: {  	v25 =	vld.idx.msk [tilespmem:v6+s12+$0x0], $0xffff;
	v2 =	vadd.f32 v3, v2;
	v3 =	vmul.f32 v5, v20  }
0x95: {  	v5 =	vld.idx.msk [tilespmem:v6+s13+$0x0], $0xffff;
	v6 =	vor.u32 $0x9, v1  }
0x96: {  	v26 =	vld.idx.msk [tilespmem:v22+s12+$0x0], $0xffff;
	v2 =	vadd.f32 v3, v2;
	v3 =	vmul.f32 v7, v21  }
0x97: {  	v27 =	vor.u32 $0xA, v1;
	v7 =	vld.idx.msk [tilespmem:v22+s13+$0x0], $0xffff  }
0x98: {  	v28 =	vld.idx.msk [tilespmem:v24+s12+$0x0], $0xffff;
	v2 =	vadd.f32 v3, v2;
	v3 =	vmul.f32 v4, v23  }
0x99: {  	v29 =	vor.u32 $0xB, v1;
	v4 =	vld.idx.msk [tilespmem:v24+s13+$0x0], $0xffff  }
0x9a: {  	v30 =	vld.idx.msk [tilespmem:v6+s12+$0x0], $0xffff;
	v2 =	vadd.f32 v3, v2;
	v3 =	vmul.f32 v5, v25  }
0x9b: {  	v5 =	vld.idx.msk [tilespmem:v6+s13+$0x0], $0xffff;
	v6 =	vor.u32 $0xC, v1  }
0x9c: {  	v31 =	vld.idx.msk [tilespmem:v27+s12+$0x0], $0xffff;
	v2 =	vadd.f32 v3, v2;
	v3 =	vmul.f32 v7, v26  }
0x9d: {  	v32 =	vor.u32 $0xD, v1;
	v7 =	vld.idx.msk [tilespmem:v27+s13+$0x0], $0xffff  }
0x9e: {  	v33 =	vld.idx.msk [tilespmem:v29+s12+$0x0], $0xffff;
	v2 =	vadd.f32 v3, v2;
	v3 =	vmul.f32 v4, v28  }
0x9f: {  	v34 =	vor.u32 $0xE, v1;
	v4 =	vld.idx.msk [tilespmem:v29+s13+$0x0], $0xffff  }
0xa0: {  	v35 =	vld.idx.msk [tilespmem:v6+s12+$0x0], $0xffff;
	v2 =	vadd.f32 v3, v2;
	v3 =	vmul.f32 v5, v30  }
0xa1: {  	v5 =	vld.idx.msk [tilespmem:v6+s13+$0x0], $0xffff;
	v6 =	vor.u32 $0xF, v1  }
0xa2: {  	v36 =	vld.idx.msk [tilespmem:v32+s12+$0x0], $0xffff;
	v2 =	vadd.f32 v3, v2;
	v3 =	vmul.f32 v7, v31  }
0xa3: {  	v37 =	vor.u32 $0x10, v1;
	v7 =	vld.idx.msk [tilespmem:v32+s13+$0x0], $0xffff  }
0xa4: {  	v38 =	vld.idx.msk [tilespmem:v34+s12+$0x0], $0xffff;
	v2 =	vadd.f32 v3, v2;
	v3 =	vmul.f32 v4, v33  }
0xa5: {  	v39 =	vor.u32 $0x11, v1;
	v4 =	vld.idx.msk [tilespmem:v34+s13+$0x0], $0xffff  }
0xa6: {  	v40 =	vld.idx.msk [tilespmem:v6+s12+$0x0], $0xffff;
	v2 =	vadd.f32 v3, v2;
	v3 =	vmul.f32 v5, v35  }
0xa7: {  	v5 =	vld.idx.msk [tilespmem:v6+s13+$0x0], $0xffff;
	v6 =	vor.u32 $0x12, v1  }
0xa8: {  	v41 =	vld.idx.msk [tilespmem:v37+s12+$0x0], $0xffff;
	v2 =	vadd.f32 v3, v2;
	v3 =	vmul.f32 v7, v36  }
0xa9: {  	v42 =	vor.u32 $0x13, v1;
	v7 =	vld.idx.msk [tilespmem:v37+s13+$0x0], $0xffff  }
0xaa: {  	v43 =	vld.idx.msk [tilespmem:v39+s12+$0x0], $0xffff;
	v2 =	vadd.f32 v3, v2;
	v3 =	vmul.f32 v4, v38  }
0xab: {  	v44 =	vor.u32 $0x14, v1;
	v4 =	vld.idx.msk [tilespmem:v39+s13+$0x0], $0xffff  }
0xac: {  	v45 =	vld.idx.msk [tilespmem:v6+s12+$0x0], $0xffff;
	v2 =	vadd.f32 v3, v2;
	v3 =	vmul.f32 v5, v40  }
0xad: {  	v5 =	vld.idx.msk [tilespmem:v6+s13+$0x0], $0xffff;
	v6 =	vor.u32 $0x15, v1  }
0xae: {  	v46 =	vld.idx.msk [tilespmem:v42+s12+$0x0], $0xffff;
	v2 =	vadd.f32 v3, v2;
	v3 =	vmul.f32 v7, v41  }
0xaf: {  	v47 =	vor.u32 $0x16, v1;
	v7 =	vld.idx.msk [tilespmem:v42+s13+$0x0], $0xffff  }
0xb0: {  	v48 =	vld.idx.msk [tilespmem:v44+s12+$0x0], $0xffff;
	v2 =	vadd.f32 v3, v2;
	v3 =	vmul.f32 v4, v43  }
0xb1: {  	v49 =	vor.u32 $0x17, v1;
	v4 =	vld.idx.msk [tilespmem:v44+s13+$0x0], $0xffff  }
0xb2: {  	v50 =	vld.idx.msk [tilespmem:v6+s12+$0x0], $0xffff;
	v2 =	vadd.f32 v3, v2;
	v3 =	vmul.f32 v5, v45  }
0xb3: {  	v5 =	vld.idx.msk [tilespmem:v6+s13+$0x0], $0xffff;
	v6 =	vor.u32 $0x18, v1  }
0xb4: {  	v51 =	vld.idx.msk [tilespmem:v47+s12+$0x0], $0xffff;
	v2 =	vadd.f32 v3, v2;
	v3 =	vmul.f32 v7, v46  }
0xb5: {  	v52 =	vor.u32 $0x19, v1;
	v7 =	vld.idx.msk [tilespmem:v47+s13+$0x0], $0xffff  }
0xb6: {  	v53 =	vld.idx.msk [tilespmem:v49+s12+$0x0], $0xffff;
	v2 =	vadd.f32 v3, v2;
	v3 =	vmul.f32 v4, v48  }
0xb7: {  	v54 =	vor.u32 $0x1A, v1;
	v4 =	vld.idx.msk [tilespmem:v49+s13+$0x0], $0xffff  }
0xb8: {  	v55 =	vld.idx.msk [tilespmem:v6+s12+$0x0], $0xffff;
	v2 =	vadd.f32 v3, v2;
	v3 =	vmul.f32 v5, v50  }
0xb9: {  	v5 =	vld.idx.msk [tilespmem:v6+s13+$0x0], $0xffff;
	v6 =	vor.u32 $0x1B, v1  }
0xba: {  	v56 =	vld.idx.msk [tilespmem:v52+s12+$0x0], $0xffff;
	v2 =	vadd.f32 v3, v2;
	v3 =	vmul.f32 v7, v51  }
0xbb: {  	v57 =	vor.u32 $0x1C, v1;
	v7 =	vld.idx.msk [tilespmem:v52+s13+$0x0], $0xffff  }
0xbc: {  	v58 =	vld.idx.msk [tilespmem:v54+s12+$0x0], $0xffff;
	v2 =	vadd.f32 v3, v2;
	v3 =	vmul.f32 v4, v53  }
0xbd: {  	v4 =	vld.idx.msk [tilespmem:v54+s13+$0x0], $0xffff  }
0xbe: {  	v60 =	vld.idx.msk [tilespmem:v6+s12+$0x0], $0xffff;
	v2 =	vadd.f32 v3, v2;
	v3 =	vmul.f32 v5, v55  }
0xbf: {  	v59 =	vor.u32 $0x1D, v1;
	v5 =	vld.idx.msk [tilespmem:v6+s13+$0x0], $0xffff  }
0xc0: {  	v61 =	vld.idx.msk [tilespmem:v57+s12+$0x0], $0xffff;
	v2 =	vadd.f32 v3, v2;
	v3 =	vmul.f32 v7, v56  }
0xc1: {  	v6 =	vor.u32 $0x1E, v1;
	v7 =	vld.idx.msk [tilespmem:v57+s13+$0x0], $0xffff  }
0xc2: {  	v2 =	vadd.f32 v3, v2;
	v3 =	vmul.f32 v4, v58  }
0xc3: {  	v1 =	vor.u32 $0x1F, v1  }
0xc4: {  	v62 =	vld.idx.msk [tilespmem:v59+s12+$0x0], $0xffff;
	v2 =	vadd.f32 v3, v2;
	v3 =	vmul.f32 v5, v60  }
0xc5: {  	v4 =	vld.idx.msk [tilespmem:v59+s13+$0x0], $0xffff  }
0xc6: {  	v63 =	vld.idx.msk [tilespmem:v6+s12+$0x0], $0xffff;
	v2 =	vadd.f32 v3, v2;
	v3 =	vmul.f32 v7, v61  }
0xc7: {  	v5 =	vld.idx.msk [tilespmem:v6+s13+$0x0], $0xffff  }
0xc8: {  	v6 =	vadd.f32 v3, v2;
	v2 =	vld.idx.msk [tilespmem:v1+s12+$0x0], $0xffff  }
0xc9: {  	v3 =	vld.idx.msk [tilespmem:v1+s13+$0x0], $0xffff  }
0xca: {  	v4 =	vmul.f32 v4, v62  }
0xcb: {  	s30 =	simm.s32 $0x20  }
0xcc: {  	v7 =	vmov s30;
	v5 =	vmul.f32 v5, v63;
	v4 =	vadd.f32 v4, v6  }
0xcd: {  	s31 =	simm.s32 $0x30;
	s30 =	simm.s32 $0x8400;
	v1 =	vshll.u32 v7, $0x5  }
.LBB2_2:
0xce: {  	p0 =	sne.s32 s31, $0x1F0;
	v1 =	vor.u32 v0, v1;
	v4 =	vadd.f32 v5, v4;
	v2 =	vmul.f32 v3, v2;
	_ =	sdelay $0x1  }
0xcf: {  	v3 =	vor.u32 $0x1, v1;
	v2 =	vadd.f32 v2, v4  }
0xd0: {  	s30 =	sadd.s32 $0x10, s30  }
0xd1: {  	v4 =	vor.u32 $0x2, v1;
	[tilespmem:s30+$0x0] =	vst v2  }
0xd2: {  	v2 =	vld.idx.msk [tilespmem:v1+s13+$0x0], $0xffff  }
0xd3: {  	v6 =	vor.u32 $0x3, v1;
	v5 =	vld.idx.msk [tilespmem:v1+s12+$0x0], $0xffff  }
0xd4: {  	v7 =	vld.idx.msk [tilespmem:v3+s12+$0x0], $0xffff  }
0xd5: {  	v8 =	vor.u32 $0x4, v1;
	v3 =	vld.idx.msk [tilespmem:v3+s13+$0x0], $0xffff  }
0xd6: {  	v9 =	vld.idx.msk [tilespmem:v4+s12+$0x0], $0xffff  }
0xd7: {  	v10 =	vor.u32 $0x5, v1;
	v4 =	vld.idx.msk [tilespmem:v4+s13+$0x0], $0xffff  }
0xd8: {  	v11 =	vld.idx.msk [tilespmem:v6+s12+$0x0], $0xffff  }
0xd9: {  	v2 =	vmul.f32 v2, v5;
	v5 =	vld.idx.msk [tilespmem:v6+s13+$0x0], $0xffff;
	v6 =	vor.u32 $0x6, v1  }
0xda: {  	v12 =	vld.idx.msk [tilespmem:v8+s12+$0x0], $0xffff  }
0xdb: {  	v2 =	vadd.f32 $0.0e+00, v2;
	v3 =	vmul.f32 v3, v7;
	v7 =	vld.idx.msk [tilespmem:v8+s13+$0x0], $0xffff;
	v8 =	vor.u32 $0x7, v1  }
0xdc: {  	v13 =	vld.idx.msk [tilespmem:v10+s12+$0x0], $0xffff  }
0xdd: {  	v2 =	vadd.f32 v3, v2;
	v3 =	vmul.f32 v4, v9;
	v9 =	vor.u32 $0x8, v1;
	v4 =	vld.idx.msk [tilespmem:v10+s13+$0x0], $0xffff  }
0xde: {  	v10 =	vld.idx.msk [tilespmem:v6+s12+$0x0], $0xffff  }
0xdf: {  	v2 =	vadd.f32 v3, v2;
	v3 =	vmul.f32 v5, v11;
	v5 =	vld.idx.msk [tilespmem:v6+s13+$0x0], $0xffff;
	v6 =	vor.u32 $0x9, v1  }
0xe0: {  	v11 =	vld.idx.msk [tilespmem:v8+s12+$0x0], $0xffff  }
0xe1: {  	v2 =	vadd.f32 v3, v2;
	v3 =	vmul.f32 v7, v12;
	v7 =	vld.idx.msk [tilespmem:v8+s13+$0x0], $0xffff;
	v8 =	vor.u32 $0xA, v1  }
0xe2: {  	v12 =	vld.idx.msk [tilespmem:v9+s12+$0x0], $0xffff  }
0xe3: {  	v2 =	vadd.f32 v3, v2;
	v3 =	vmul.f32 v4, v13;
	v4 =	vld.idx.msk [tilespmem:v9+s13+$0x0], $0xffff;
	v9 =	vor.u32 $0xB, v1  }
0xe4: {  	v13 =	vld.idx.msk [tilespmem:v6+s12+$0x0], $0xffff  }
0xe5: {  	v2 =	vadd.f32 v3, v2;
	v3 =	vmul.f32 v5, v10;
	v5 =	vld.idx.msk [tilespmem:v6+s13+$0x0], $0xffff;
	v6 =	vor.u32 $0xC, v1  }
0xe6: {  	v10 =	vld.idx.msk [tilespmem:v8+s12+$0x0], $0xffff  }
0xe7: {  	v2 =	vadd.f32 v3, v2;
	v3 =	vmul.f32 v7, v11;
	v7 =	vld.idx.msk [tilespmem:v8+s13+$0x0], $0xffff;
	v8 =	vor.u32 $0xD, v1  }
0xe8: {  	v11 =	vld.idx.msk [tilespmem:v9+s12+$0x0], $0xffff  }
0xe9: {  	v2 =	vadd.f32 v3, v2;
	v3 =	vmul.f32 v4, v12;
	v4 =	vld.idx.msk [tilespmem:v9+s13+$0x0], $0xffff;
	v9 =	vor.u32 $0xE, v1  }
0xea: {  	v12 =	vld.idx.msk [tilespmem:v6+s12+$0x0], $0xffff  }
0xeb: {  	v2 =	vadd.f32 v3, v2;
	v3 =	vmul.f32 v5, v13;
	v5 =	vld.idx.msk [tilespmem:v6+s13+$0x0], $0xffff;
	v6 =	vor.u32 $0xF, v1  }
0xec: {  	v13 =	vld.idx.msk [tilespmem:v8+s12+$0x0], $0xffff  }
0xed: {  	v2 =	vadd.f32 v3, v2;
	v3 =	vmul.f32 v7, v10;
	v7 =	vld.idx.msk [tilespmem:v8+s13+$0x0], $0xffff;
	v8 =	vor.u32 $0x10, v1  }
0xee: {  	v10 =	vld.idx.msk [tilespmem:v9+s12+$0x0], $0xffff  }
0xef: {  	v2 =	vadd.f32 v3, v2;
	v3 =	vmul.f32 v4, v11;
	v4 =	vld.idx.msk [tilespmem:v9+s13+$0x0], $0xffff;
	v9 =	vor.u32 $0x11, v1  }
0xf0: {  	v11 =	vld.idx.msk [tilespmem:v6+s12+$0x0], $0xffff  }
0xf1: {  	v2 =	vadd.f32 v3, v2;
	v3 =	vmul.f32 v5, v12;
	v5 =	vld.idx.msk [tilespmem:v6+s13+$0x0], $0xffff;
	v6 =	vor.u32 $0x12, v1  }
0xf2: {  	v12 =	vld.idx.msk [tilespmem:v8+s12+$0x0], $0xffff  }
0xf3: {  	v2 =	vadd.f32 v3, v2;
	v3 =	vmul.f32 v7, v13;
	v7 =	vld.idx.msk [tilespmem:v8+s13+$0x0], $0xffff;
	v8 =	vor.u32 $0x13, v1  }
0xf4: {  	v13 =	vld.idx.msk [tilespmem:v9+s12+$0x0], $0xffff  }
0xf5: {  	v2 =	vadd.f32 v3, v2;
	v3 =	vmul.f32 v4, v10;
	v4 =	vld.idx.msk [tilespmem:v9+s13+$0x0], $0xffff;
	v9 =	vor.u32 $0x14, v1  }
0xf6: {  	v10 =	vld.idx.msk [tilespmem:v6+s12+$0x0], $0xffff  }
0xf7: {  	v2 =	vadd.f32 v3, v2;
	v3 =	vmul.f32 v5, v11;
	v5 =	vld.idx.msk [tilespmem:v6+s13+$0x0], $0xffff;
	v6 =	vor.u32 $0x15, v1  }
0xf8: {  	v11 =	vld.idx.msk [tilespmem:v8+s12+$0x0], $0xffff  }
0xf9: {  	v2 =	vadd.f32 v3, v2;
	v3 =	vmul.f32 v7, v12;
	v7 =	vld.idx.msk [tilespmem:v8+s13+$0x0], $0xffff;
	v8 =	vor.u32 $0x16, v1  }
0xfa: {  	v12 =	vld.idx.msk [tilespmem:v9+s12+$0x0], $0xffff  }
0xfb: {  	v2 =	vadd.f32 v3, v2;
	v3 =	vmul.f32 v4, v13;
	v4 =	vld.idx.msk [tilespmem:v9+s13+$0x0], $0xffff;
	v9 =	vor.u32 $0x17, v1  }
0xfc: {  	v13 =	vld.idx.msk [tilespmem:v6+s12+$0x0], $0xffff  }
0xfd: {  	v2 =	vadd.f32 v3, v2;
	v3 =	vmul.f32 v5, v10;
	v5 =	vld.idx.msk [tilespmem:v6+s13+$0x0], $0xffff;
	v6 =	vor.u32 $0x18, v1  }
0xfe: {  	v10 =	vld.idx.msk [tilespmem:v8+s12+$0x0], $0xffff  }
0xff: {  	v2 =	vadd.f32 v3, v2;
	v3 =	vmul.f32 v7, v11;
	v7 =	vld.idx.msk [tilespmem:v8+s13+$0x0], $0xffff;
	v8 =	vor.u32 $0x19, v1  }
0x100: {  	v11 =	vld.idx.msk [tilespmem:v9+s12+$0x0], $0xffff  }
0x101: {  	v2 =	vadd.f32 v3, v2;
	v3 =	vmul.f32 v4, v12;
	v4 =	vld.idx.msk [tilespmem:v9+s13+$0x0], $0xffff;
	v9 =	vor.u32 $0x1A, v1  }
0x102: {  	v12 =	vld.idx.msk [tilespmem:v6+s12+$0x0], $0xffff  }
0x103: {  	v2 =	vadd.f32 v3, v2;
	v3 =	vmul.f32 v5, v13;
	v5 =	vld.idx.msk [tilespmem:v6+s13+$0x0], $0xffff;
	v6 =	vor.u32 $0x1B, v1  }
0x104: {  	v13 =	vld.idx.msk [tilespmem:v8+s12+$0x0], $0xffff  }
0x105: {  	v2 =	vadd.f32 v3, v2;
	v3 =	vmul.f32 v7, v10;
	v7 =	vld.idx.msk [tilespmem:v8+s13+$0x0], $0xffff;
	v8 =	vor.u32 $0x1C, v1  }
0x106: {  	v10 =	vld.idx.msk [tilespmem:v9+s12+$0x0], $0xffff  }
0x107: {  	v2 =	vadd.f32 v3, v2;
	v3 =	vmul.f32 v4, v11;
	v4 =	vld.idx.msk [tilespmem:v9+s13+$0x0], $0xffff;
	v9 =	vor.u32 $0x1D, v1  }
0x108: {  	v11 =	vld.idx.msk [tilespmem:v6+s12+$0x0], $0xffff  }
0x109: {  	v2 =	vadd.f32 v3, v2;
	v3 =	vmul.f32 v5, v12;
	v5 =	vld.idx.msk [tilespmem:v6+s13+$0x0], $0xffff;
	v6 =	vor.u32 $0x1E, v1  }
0x10a: {  	v12 =	vld.idx.msk [tilespmem:v8+s12+$0x0], $0xffff  }
0x10b: {  	v1 =	vor.u32 $0x1F, v1;
	v2 =	vadd.f32 v3, v2;
	v3 =	vmul.f32 v7, v13;
	v7 =	vld.idx.msk [tilespmem:v8+s13+$0x0], $0xffff  }
0x10c: {  	v8 =	vld.idx.msk [tilespmem:v9+s12+$0x0], $0xffff  }
0x10d: {  	v2 =	vadd.f32 v3, v2;
	v3 =	vmul.f32 v4, v10;
	v4 =	vld.idx.msk [tilespmem:v9+s13+$0x0], $0xffff  }
0x10e: {  	v9 =	vld.idx.msk [tilespmem:v6+s12+$0x0], $0xffff  }
0x10f: {  	v3 =	vadd.f32 v3, v2;
	v5 =	vmul.f32 v5, v11;
	v6 =	vld.idx.msk [tilespmem:v6+s13+$0x0], $0xffff  }
0x110: {  	v2 =	vld.idx.msk [tilespmem:v1+s12+$0x0], $0xffff  }
0x111: {  	v5 =	vadd.f32 v5, v3;
	v7 =	vmul.f32 v7, v12;
	v3 =	vld.idx.msk [tilespmem:v1+s13+$0x0], $0xffff  }
.Ltmp0:
0x112: {  	(pc) =	sbr.rel @p0 .LBB2_2-.Ltmp0, $3  }
0x113: {  	v1 =	vadd.f32 v7, v5;
	v4 =	vmul.f32 v4, v8;
	_ =	sdelay $0x1  }
0x114: {  	v7 =	vmov s31;
	v4 =	vadd.f32 v4, v1;
	v5 =	vmul.f32 v6, v9  }
0x115: {  	s31 =	sadd.s32 $0x10, s31;
	v1 =	vshll.u32 v7, $0x5  }
0x116: {  	v1 =	vor.u32 v0, v1;
	v4 =	vadd.f32 v5, v4;
	v2 =	vmul.f32 v3, v2;
	_ =	sdelay $0x1  }
0x117: {  	v3 =	vor.u32 $0x1, v1;
	v2 =	vadd.f32 v2, v4  }
0x118: {  	s30 =	sadd.s32 $0x10, s30  }
0x119: {  	v31 =	vor.u32 $0x2, v1;
	[tilespmem:s30+$0x0] =	vst v2  }
0x11a: {  	v2 =	vld.idx.msk [tilespmem:v1+s13+$0x0], $0xffff  }
0x11b: {  	v6 =	vor.u32 $0x3, v1;
	v32 =	vld.idx.msk [tilespmem:v1+s12+$0x0], $0xffff  }
0x11c: {  	v7 =	vld.idx.msk [tilespmem:v3+s12+$0x0], $0xffff  }
0x11d: {  	v8 =	vor.u32 $0x4, v1;
	v3 =	vld.idx.msk [tilespmem:v3+s13+$0x0], $0xffff  }
0x11e: {  	v9 =	vld.idx.msk [tilespmem:v31+s12+$0x0], $0xffff  }
0x11f: {  	v10 =	vor.u32 $0x5, v1;
	v4 =	vld.idx.msk [tilespmem:v31+s13+$0x0], $0xffff  }
0x120: {  	v11 =	vld.idx.msk [tilespmem:v6+s12+$0x0], $0xffff;
	v2 =	vmul.f32 v2, v32  }
0x121: {  	v34 =	vor.u32 $0x6, v1;
	v33 =	vld.idx.msk [tilespmem:v6+s13+$0x0], $0xffff  }
0x122: {  	v12 =	vld.idx.msk [tilespmem:v8+s12+$0x0], $0xffff;
	v3 =	vmul.f32 v3, v7;
	v2 =	vadd.f32 $0.0e+00, v2  }
0x123: {  	v36 =	vor.u32 $0x7, v1;
	v35 =	vld.idx.msk [tilespmem:v8+s13+$0x0], $0xffff  }
0x124: {  	v13 =	vld.idx.msk [tilespmem:v10+s12+$0x0], $0xffff;
	v2 =	vadd.f32 v3, v2;
	v3 =	vmul.f32 v4, v9  }
0x125: {  	v38 =	vor.u32 $0x8, v1;
	v37 =	vld.idx.msk [tilespmem:v10+s13+$0x0], $0xffff  }
0x126: {  	v39 =	vld.idx.msk [tilespmem:v34+s12+$0x0], $0xffff;
	v2 =	vadd.f32 v3, v2;
	v3 =	vmul.f32 v33, v11  }
0x127: {  	v41 =	vor.u32 $0x9, v1;
	v40 =	vld.idx.msk [tilespmem:v34+s13+$0x0], $0xffff  }
0x128: {  	v42 =	vld.idx.msk [tilespmem:v36+s12+$0x0], $0xffff;
	v2 =	vadd.f32 v3, v2;
	v3 =	vmul.f32 v35, v12  }
0x129: {  	v44 =	vor.u32 $0xA, v1;
	v43 =	vld.idx.msk [tilespmem:v36+s13+$0x0], $0xffff  }
0x12a: {  	v45 =	vld.idx.msk [tilespmem:v38+s12+$0x0], $0xffff;
	v2 =	vadd.f32 v3, v2;
	v3 =	vmul.f32 v37, v13  }
0x12b: {  	v47 =	vor.u32 $0xB, v1;
	v46 =	vld.idx.msk [tilespmem:v38+s13+$0x0], $0xffff  }
0x12c: {  	v48 =	vld.idx.msk [tilespmem:v41+s12+$0x0], $0xffff;
	v2 =	vadd.f32 v3, v2;
	v3 =	vmul.f32 v40, v39  }
0x12d: {  	v50 =	vor.u32 $0xC, v1;
	v49 =	vld.idx.msk [tilespmem:v41+s13+$0x0], $0xffff  }
0x12e: {  	v51 =	vld.idx.msk [tilespmem:v44+s12+$0x0], $0xffff;
	v2 =	vadd.f32 v3, v2;
	v3 =	vmul.f32 v43, v42  }
0x12f: {  	v53 =	vor.u32 $0xD, v1;
	v52 =	vld.idx.msk [tilespmem:v44+s13+$0x0], $0xffff  }
0x130: {  	v54 =	vld.idx.msk [tilespmem:v47+s12+$0x0], $0xffff;
	v2 =	vadd.f32 v3, v2;
	v3 =	vmul.f32 v46, v45  }
0x131: {  	v56 =	vor.u32 $0xE, v1;
	v55 =	vld.idx.msk [tilespmem:v47+s13+$0x0], $0xffff  }
0x132: {  	v57 =	vld.idx.msk [tilespmem:v50+s12+$0x0], $0xffff;
	v2 =	vadd.f32 v3, v2;
	v3 =	vmul.f32 v49, v48  }
0x133: {  	v59 =	vor.u32 $0xF, v1;
	v58 =	vld.idx.msk [tilespmem:v50+s13+$0x0], $0xffff  }
0x134: {  	v60 =	vld.idx.msk [tilespmem:v53+s12+$0x0], $0xffff;
	v2 =	vadd.f32 v3, v2;
	v3 =	vmul.f32 v52, v51  }
0x135: {  	v62 =	vor.u32 $0x10, v1;
	v61 =	vld.idx.msk [tilespmem:v53+s13+$0x0], $0xffff  }
0x136: {  	v63 =	vld.idx.msk [tilespmem:v56+s12+$0x0], $0xffff;
	v2 =	vadd.f32 v3, v2;
	v3 =	vmul.f32 v55, v54  }
0x137: {  	v17 =	vor.u32 $0x11, v1;
	v16 =	vld.idx.msk [tilespmem:v56+s13+$0x0], $0xffff  }
0x138: {  	v18 =	vld.idx.msk [tilespmem:v59+s12+$0x0], $0xffff;
	v2 =	vadd.f32 v3, v2;
	v3 =	vmul.f32 v58, v57  }
0x139: {  	v20 =	vor.u32 $0x12, v1;
	v19 =	vld.idx.msk [tilespmem:v59+s13+$0x0], $0xffff  }
0x13a: {  	v21 =	vld.idx.msk [tilespmem:v62+s12+$0x0], $0xffff;
	v2 =	vadd.f32 v3, v2;
	v3 =	vmul.f32 v61, v60  }
0x13b: {  	v23 =	vor.u32 $0x13, v1;
	v22 =	vld.idx.msk [tilespmem:v62+s13+$0x0], $0xffff  }
0x13c: {  	v24 =	vld.idx.msk [tilespmem:v17+s12+$0x0], $0xffff;
	v2 =	vadd.f32 v3, v2;
	v3 =	vmul.f32 v16, v63  }
0x13d: {  	v26 =	vor.u32 $0x14, v1;
	v25 =	vld.idx.msk [tilespmem:v17+s13+$0x0], $0xffff  }
0x13e: {  	v27 =	vld.idx.msk [tilespmem:v20+s12+$0x0], $0xffff;
	v2 =	vadd.f32 v3, v2;
	v3 =	vmul.f32 v19, v18  }
0x13f: {  	v29 =	vor.u32 $0x15, v1;
	v28 =	vld.idx.msk [tilespmem:v20+s13+$0x0], $0xffff  }
0x140: {  	v30 =	vld.idx.msk [tilespmem:v23+s12+$0x0], $0xffff;
	v2 =	vadd.f32 v3, v2;
	v3 =	vmul.f32 v22, v21  }
0x141: {  	v31 =	vld.idx.msk [tilespmem:v23+s13+$0x0], $0xffff;
	v32 =	vor.u32 $0x16, v1  }
0x142: {  	v34 =	vld.idx.msk [tilespmem:v26+s13+$0x0], $0xffff;
	v2 =	vadd.f32 v3, v2;
	v3 =	vmul.f32 v25, v24  }
0x143: {  	v33 =	vld.idx.msk [tilespmem:v26+s12+$0x0], $0xffff;
	v35 =	vor.u32 $0x17, v1  }
0x144: {  	v36 =	vld.idx.msk [tilespmem:v29+s12+$0x0], $0xffff;
	v2 =	vadd.f32 v3, v2;
	v3 =	vmul.f32 v28, v27  }
0x145: {  	v38 =	vor.u32 $0x18, v1;
	v37 =	vld.idx.msk [tilespmem:v29+s13+$0x0], $0xffff  }
0x146: {  	v39 =	vld.idx.msk [tilespmem:v32+s12+$0x0], $0xffff;
	v2 =	vadd.f32 v3, v2;
	v3 =	vmul.f32 v31, v30  }
0x147: {  	v41 =	vor.u32 $0x19, v1;
	v40 =	vld.idx.msk [tilespmem:v32+s13+$0x0], $0xffff  }
0x148: {  	v42 =	vld.idx.msk [tilespmem:v35+s12+$0x0], $0xffff;
	v2 =	vadd.f32 v3, v2;
	v3 =	vmul.f32 v34, v33  }
0x149: {  	v44 =	vor.u32 $0x1A, v1;
	v43 =	vld.idx.msk [tilespmem:v35+s13+$0x0], $0xffff  }
0x14a: {  	v45 =	vld.idx.msk [tilespmem:v38+s12+$0x0], $0xffff;
	v2 =	vadd.f32 v3, v2;
	v3 =	vmul.f32 v37, v36  }
0x14b: {  	v47 =	vor.u32 $0x1B, v1;
	v46 =	vld.idx.msk [tilespmem:v38+s13+$0x0], $0xffff  }
0x14c: {  	v48 =	vld.idx.msk [tilespmem:v41+s12+$0x0], $0xffff;
	v2 =	vadd.f32 v3, v2;
	v3 =	vmul.f32 v40, v39  }
0x14d: {  	v50 =	vor.u32 $0x1C, v1;
	v49 =	vld.idx.msk [tilespmem:v41+s13+$0x0], $0xffff  }
0x14e: {  	v51 =	vld.idx.msk [tilespmem:v44+s12+$0x0], $0xffff;
	v2 =	vadd.f32 v3, v2;
	v3 =	vmul.f32 v43, v42  }
0x14f: {  	v53 =	vor.u32 $0x1D, v1;
	v52 =	vld.idx.msk [tilespmem:v44+s13+$0x0], $0xffff  }
0x150: {  	v54 =	vld.idx.msk [tilespmem:v47+s12+$0x0], $0xffff;
	v2 =	vadd.f32 v3, v2;
	v3 =	vmul.f32 v46, v45  }
0x151: {  	v56 =	vor.u32 $0x1E, v1;
	v55 =	vld.idx.msk [tilespmem:v47+s13+$0x0], $0xffff  }
0x152: {  	v57 =	vld.idx.msk [tilespmem:v50+s12+$0x0], $0xffff;
	v2 =	vadd.f32 v3, v2;
	v3 =	vmul.f32 v49, v48  }
0x153: {  	v1 =	vor.u32 $0x1F, v1;
	v58 =	vld.idx.msk [tilespmem:v50+s13+$0x0], $0xffff  }
0x154: {  	v59 =	vld.idx.msk [tilespmem:v53+s12+$0x0], $0xffff;
	v2 =	vadd.f32 v3, v2;
	v3 =	vmul.f32 v52, v51  }
0x155: {  	v60 =	vld.idx.msk [tilespmem:v53+s13+$0x0], $0xffff  }
0x156: {  	v62 =	vld.idx.msk [tilespmem:v56+s13+$0x0], $0xffff;
	v2 =	vadd.f32 v3, v2;
	v3 =	vmul.f32 v55, v54  }
0x157: {  	v61 =	vld.idx.msk [tilespmem:v56+s12+$0x0], $0xffff  }
0x158: {  	v63 =	vld.idx.msk [tilespmem:v1+s12+$0x0], $0xffff;
	v2 =	vadd.f32 v3, v2;
	v3 =	vmul.f32 v58, v57  }
0x159: {  	v1 =	vld.idx.msk [tilespmem:v1+s13+$0x0], $0xffff  }
0x15a: {  	v2 =	vadd.f32 v3, v2;
	v3 =	vmul.f32 v60, v59;
	_ =	sdelay $0x1  }
0x15b: {  	v2 =	vadd.f32 v3, v2;
	v3 =	vmul.f32 v62, v61;
	_ =	sdelay $0x1  }
0x15c: {  	v1 =	vmul.f32 v1, v63;
	v2 =	vadd.f32 v3, v2;
	_ =	sdelay $0x1  }
0x15d: {  	s29 =	sadd.s32 $0x1, s29;
	v1 =	vadd.f32 v1, v2  }
0x15e: {  	p0 =	sne.s32 s29, s8;
	s30 =	sadd.s32 $0x10, s30  }
.Ltmp1:
0x15f: {  	[tilespmem:s30+$0x0] =	vst v1;
	(pc) =	sbr.rel @p0 .LBB2_1-.Ltmp1, $4  }
0x160: {  	[hbm4b:s7+s1] =	stream.linear.scatter [tilespmem:s28], [sflag:$0x3], $0x200, $0x38;
	[tilespmem:$0x8600] =	vst v63  }
0x161: {  	_ =	swait.ge [sflag:s9], $0x200  }
0x162: {  	[sflag:s9] =	ssyncset.done $0x0  }
0x163: {  	[sflag:s9] =	ssyncadd.s32 $0xFFFFFE00  }
0x164: {  	_ =	sfence.sel $0x180000  }
0x165: {  	[bflag:$0x0] =	sbarrier.arrive $0xFFFF  }
0x166: {  	p0 =	sne.s32 s2, $0x0;
	_ =	strace $0x90000047  }
0x167: {  	s0 =	sadd.s32 @!p0 $0x100000, s0;
	[bflag:$0x2] =	sbarrier.arrive $0xFFFF  }
0x168: {  	[sflag:s0] =	ssyncadd.tile.s32 @!p0 $0x1;
	_ =	shalt  }
.Lfunc_end2:
_tile_overlayer_lowered:
.L_overlay_start_2:
0x169: {  	(tag) =	ssettag $0x2  }
0x16a: {  	s0 =	rddreg [dreg:$0x0];
	s2 =	stileid.u32  }
0x16b: {  	s1 =	rddreg [dreg:$0x1];
	p0 =	sne.s32 s2, $0x0  }
0x16c: {  	s3 =	rddreg [dreg:$0x2];
	[bflag:$0x3] =	sbarrier.arrive $0xFFFF;
	s2 =	simm.s32 @!p0 $0x1C03  }
0x16d: {  	[timem:s3], [sflag:s2] =	dma.local @!p0 [hbm:s0], s1  }
0x16e: {  	s0 =	simm.s32 @!p0 $0x3  }
0x16f: {  	_ =	swait.ge @!p0 [sflag:s0], s1  }
0x170: {  	s1 =	ssub.s32 @!p0 $0x0, s1;
	[sflag:s0] =	ssyncset.done @!p0 $0x0  }
0x171: {  	[sflag:s0] =	ssyncadd.s32 @!p0 s1  }
0x172: {  	[bflag:$0x3] =	sbarrier.arrive $0xFFFF  }
0x173: {  	_ =	shalt  }

</sc_bundles>
